<compile_context>
chip_gen: v7x
topology: tpu7x:2x2x1
jax: 0.10.2.dev20260603
libtpu: 0.0.44.dev20260713+nightly
codegen_flags: <defaults>
</compile_context>

<pallas_src>
import functools

import jax
import jax.numpy as jnp
from jax import lax
from jax.experimental import pallas as pl
from jax.experimental.pallas import tpu as pltpu
from jax.experimental.pallas import tpu_sc as plsc

NC = 2
NS = 16
NW = NC * NS

CHUNK = 128
NBUF = 8


def _emb_body(n_chunks, d, x_hbm, table_hbm, out_hbm, idx_v, rows_v, gsem, osem):
    wid = lax.axis_index("s") * NC + lax.axis_index("c")
    row0 = wid * n_chunks

    pltpu.sync_copy(x_hbm.at[pl.ds(row0, n_chunks)], idx_v)

    def gather(j, b):
        return pltpu.make_async_copy(
            table_hbm.at[idx_v.at[j]], rows_v.at[b], gsem.at[b])

    def writeback(j, b):
        return pltpu.make_async_copy(
            rows_v.at[b], out_hbm.at[pl.ds((row0 + j) * CHUNK, CHUNK)],
            osem.at[b])

    for b in range(NBUF):
        gather(b, b).start()

    def group_body(g, c):
        base = g * NBUF
        for b in range(NBUF):
            gather(base + b, b).wait()
            writeback(base + b, b).start()
        for b in range(NBUF):
            writeback(base + b, b).wait()
            gather(base + NBUF + b, b).start()
        return c

    ngroups = n_chunks // NBUF
    lax.fori_loop(0, ngroups - 1, group_body, 0)

    base = (ngroups - 1) * NBUF
    for b in range(NBUF):
        gather(base + b, b).wait()
        writeback(base + b, b).start()
    for b in range(NBUF):
        writeback(base + b, b).wait()


def kernel(x, table):
    batch, hist = x.shape
    vocab, d = table.shape
    n = batch * hist
    n_rows = n // CHUNK
    n_chunks = n_rows // NW
    assert n_rows * CHUNK == n and n_chunks * NW == n_rows
    assert n_chunks % NBUF == 0

    xf = x.reshape(n_rows, CHUNK).astype(jnp.int32)
    mesh = plsc.VectorSubcoreMesh(core_axis_name="c", subcore_axis_name="s")
    out = pl.kernel(
        functools.partial(_emb_body, n_chunks, d),
        out_type=jax.ShapeDtypeStruct((n, d), table.dtype),
        mesh=mesh,
        compiler_params=pltpu.CompilerParams(use_tc_tiling_on_sc=False),
        scratch_types=[
            pltpu.VMEM((n_chunks, CHUNK), jnp.int32),
            pltpu.VMEM((NBUF, CHUNK, d), jnp.float32),
            pltpu.SemaphoreType.DMA((NBUF,)),
            pltpu.SemaphoreType.DMA((NBUF,)),
        ],
    )(xf, table)
    return out.reshape(batch, hist, d)

# --- scband reference (transcript-rebuilt; emitter-appended) ---
"""Pipeline reference for scband-text-embedding-43808666419842 (READ-ONLY COPY).

The authoritative reference and input builder live on the scoring server;
editing this copy changes nothing except your own understanding.
"""

import jax, jax.numpy as jnp
import numpy as np

VOCAB = 1000000
EMBED_DIM = 64
BATCH = 16384
HIST = 50

def _xavier_uniform(key, shape, dtype=jnp.float32):
    fan_in, fan_out = shape[1], shape[0]
    limit = float(np.sqrt(6.0 / (fan_in + fan_out)))
    return jax.random.uniform(key, shape, dtype=dtype, minval=-limit, maxval=limit)

def setup_inputs(seed: int = 0) -> dict:
    key = jax.random.key(seed)
    k_idx, k_tab = jax.random.split(key)
    x = jax.random.randint(k_idx, (BATCH, HIST), 0, VOCAB, dtype=jnp.int64)
    table = _xavier_uniform(k_tab, (VOCAB, EMBED_DIM))
    # padding_idx=0: embedding row 0 is zeroed
    table = table.at[0].set(0.0)
    return {"x": x, "table": table}

def reference(x, table):
    # nn.Embedding forward: gather rows of the table by index
    embedded = jnp.take(table, x, axis=0)
    return embedded

if __name__ == "__main__":
    import jax
    _d = setup_inputs()
    print(jax.jit(kernel)(*tuple(_d.values())))

</pallas_src>

<mosaic_0001>
#map = affine_map<(d0, d1) -> (0, 0)>
module attributes {stable_mosaic.version = 14 : i64} {
  func.func @_emb_body(%arg0: i32, %arg1: i32, %arg2: memref<6400x128xi32, #tpu.memory_space<hbm>>, %arg3: memref<1000000x64xf32, #tpu.memory_space<hbm>>, %arg4: memref<819200x64xf32, #tpu.memory_space<hbm>>, %arg5: memref<200x128xi32, #tpu.memory_space<vmem>>, %arg6: memref<8x128x64xf32, #tpu.memory_space<vmem>>, %arg7: memref<8x!tpu.dma_semaphore, #tpu.memory_space<semaphore_mem>>, %arg8: memref<8x!tpu.dma_semaphore, #tpu.memory_space<semaphore_mem>>) attributes {dimension_semantics = [#tpu.dimension_semantics<core_parallel>, #tpu.dimension_semantics<subcore_parallel>], iteration_bounds = array<i64: 2, 16>, scalar_prefetch = 0 : i64, scratch_operands = 4 : i64, tpu.core_type = #tpu.core_type<sc_vector_subcore>, window_params = [{transform_indices = #map}, {transform_indices = #map}, {transform_indices = #map}]} {
    %mul3A = arith.constant 2 : i32
    %mul3A_0 = arith.muli %arg1, %mul3A : i32
    %add3A = arith.addi %mul3A_0, %arg0 : i32
    %mul3A_1 = arith.constant 200 : i32
    %mul3A_2 = arith.muli %add3A, %mul3A_1 : i32
    "tpu.region"() ({
      %run_scoped3A = tpu.sem_alloc : memref<!tpu.dma_semaphore, #tpu.memory_space<semaphore_mem>>
      %dma_start3A_566 = arith.constant 0 : i32
      %dma_start3A_567 = tpu.memref_slice %arg2[%mul3A_2, %dma_start3A_566] : memref<6400x128xi32, #tpu.memory_space<hbm>> -> memref<200x128xi32, #tpu.memory_space<hbm>>
      %dma_start3A_568 = arith.constant 0 : i32
      %dma_start3A_569 = tpu.memref_slice %arg2[%mul3A_2, %dma_start3A_568] : memref<6400x128xi32, #tpu.memory_space<hbm>> -> memref<200x128xi32, #tpu.memory_space<hbm>>
      tpu.enqueue_dma source(%dma_start3A_569 : memref<200x128xi32, #tpu.memory_space<hbm>>) target(%arg5 : memref<200x128xi32, #tpu.memory_space<vmem>>) target_semaphore(%run_scoped3A : memref<!tpu.dma_semaphore, #tpu.memory_space<semaphore_mem>>)
      %dma_wait3A_570 = arith.constant 0 : i32
      %dma_wait3A_571 = tpu.memref_slice %arg2[%mul3A_2, %dma_wait3A_570] : memref<6400x128xi32, #tpu.memory_space<hbm>> -> memref<200x128xi32, #tpu.memory_space<hbm>>
      %dma_wait3A_572 = arith.constant 0 : i32
      %dma_wait3A_573 = tpu.memref_slice %arg2[%mul3A_2, %dma_wait3A_572] : memref<6400x128xi32, #tpu.memory_space<hbm>> -> memref<200x128xi32, #tpu.memory_space<hbm>>
      tpu.wait_dma2 semaphore(%run_scoped3A : memref<!tpu.dma_semaphore, #tpu.memory_space<semaphore_mem>>) src(%dma_wait3A_573 : memref<200x128xi32, #tpu.memory_space<hbm>>) dst(%arg5 : memref<200x128xi32, #tpu.memory_space<vmem>>)
      tpu.yield
    }) : () -> ()
    %dma_start3A = arith.constant 0 : i32
    %dma_start3A_3 = arith.constant 0 : i32
    %dma_start3A_4 = arith.constant 0 : i32
    %dma_start3A_5 = arith.constant 0 : i32
    %dma_start3A_6 = arith.constant 0 : i32
    %dma_start3A_7 = tpu.memref_slice %arg6[%dma_start3A_3, %dma_start3A_5, %dma_start3A_6] : memref<8x128x64xf32, #tpu.memory_space<vmem>> -> memref<1x128x64xf32, #tpu.memory_space<vmem>>
    %dma_start3A_8 = tpu.memref_squeeze %dma_start3A_7 : memref<1x128x64xf32, #tpu.memory_space<vmem>> -> memref<128x64xf32, #tpu.memory_space<vmem>>
    %dma_start3A_9 = arith.constant 0 : i32
    %dma_start3A_10 = tpu.memref_slice %arg5[%dma_start3A, %dma_start3A_9] : memref<200x128xi32, #tpu.memory_space<vmem>> -> memref<1x128xi32, #tpu.memory_space<vmem>>
    %dma_start3A_11 = tpu.memref_squeeze %dma_start3A_10 : memref<1x128xi32, #tpu.memory_space<vmem>> -> memref<128xi32, #tpu.memory_space<vmem>>
    %dma_start3A_12 = arith.constant 0 : i32
    %dma_start3A_13 = arith.constant 0 : i32
    %dma_start3A_14 = tpu.memref_slice %arg3[%dma_start3A_12, %dma_start3A_13] : memref<1000000x64xf32, #tpu.memory_space<hbm>> -> memref<1000000x64xf32, #tpu.memory_space<hbm>>
    %dma_start3A_15 = tpu.memref_slice %arg7[%dma_start3A_4] : memref<8x!tpu.dma_semaphore, #tpu.memory_space<semaphore_mem>> -> memref<1x!tpu.dma_semaphore, #tpu.memory_space<semaphore_mem>>
    %dma_start3A_16 = tpu.memref_squeeze %dma_start3A_15 : memref<1x!tpu.dma_semaphore, #tpu.memory_space<semaphore_mem>> -> memref<!tpu.dma_semaphore, #tpu.memory_space<semaphore_mem>>
    tpu.enqueue_indirect_dma source(%dma_start3A_14 : memref<1000000x64xf32, #tpu.memory_space<hbm>>) target(%dma_start3A_8 : memref<128x64xf32, #tpu.memory_space<vmem>>) offsets(%dma_start3A_11 : memref<128xi32, #tpu.memory_space<vmem>>) semaphore(%dma_start3A_16 : memref<!tpu.dma_semaphore, #tpu.memory_space<semaphore_mem>>)
    %dma_start3A_17 = arith.constant 1 : i32
    %dma_start3A_18 = arith.constant 1 : i32
    %dma_start3A_19 = arith.constant 1 : i32
    %dma_start3A_20 = arith.constant 0 : i32
    %dma_start3A_21 = arith.constant 0 : i32
    %dma_start3A_22 = tpu.memref_slice %arg6[%dma_start3A_18, %dma_start3A_20, %dma_start3A_21] : memref<8x128x64xf32, #tpu.memory_space<vmem>> -> memref<1x128x64xf32, #tpu.memory_space<vmem>>
    %dma_start3A_23 = tpu.memref_squeeze %dma_start3A_22 : memref<1x128x64xf32, #tpu.memory_space<vmem>> -> memref<128x64xf32, #tpu.memory_space<vmem>>
    %dma_start3A_24 = arith.constant 0 : i32
    %dma_start3A_25 = tpu.memref_slice %arg5[%dma_start3A_17, %dma_start3A_24] : memref<200x128xi32, #tpu.memory_space<vmem>> -> memref<1x128xi32, #tpu.memory_space<vmem>>
    %dma_start3A_26 = tpu.memref_squeeze %dma_start3A_25 : memref<1x128xi32, #tpu.memory_space<vmem>> -> memref<128xi32, #tpu.memory_space<vmem>>
    %dma_start3A_27 = arith.constant 0 : i32
    %dma_start3A_28 = arith.constant 0 : i32
    %dma_start3A_29 = tpu.memref_slice %arg3[%dma_start3A_27, %dma_start3A_28] : memref<1000000x64xf32, #tpu.memory_space<hbm>> -> memref<1000000x64xf32, #tpu.memory_space<hbm>>
    %dma_start3A_30 = tpu.memref_slice %arg7[%dma_start3A_19] : memref<8x!tpu.dma_semaphore, #tpu.memory_space<semaphore_mem>> -> memref<1x!tpu.dma_semaphore, #tpu.memory_space<semaphore_mem>>
    %dma_start3A_31 = tpu.memref_squeeze %dma_start3A_30 : memref<1x!tpu.dma_semaphore, #tpu.memory_space<semaphore_mem>> -> memref<!tpu.dma_semaphore, #tpu.memory_space<semaphore_mem>>
    tpu.enqueue_indirect_dma source(%dma_start3A_29 : memref<1000000x64xf32, #tpu.memory_space<hbm>>) target(%dma_start3A_23 : memref<128x64xf32, #tpu.memory_space<vmem>>) offsets(%dma_start3A_26 : memref<128xi32, #tpu.memory_space<vmem>>) semaphore(%dma_start3A_31 : memref<!tpu.dma_semaphore, #tpu.memory_space<semaphore_mem>>)
    %dma_start3A_32 = arith.constant 2 : i32
    %dma_start3A_33 = arith.constant 2 : i32
    %dma_start3A_34 = arith.constant 2 : i32
    %dma_start3A_35 = arith.constant 0 : i32
    %dma_start3A_36 = arith.constant 0 : i32
    %dma_start3A_37 = tpu.memref_slice %arg6[%dma_start3A_33, %dma_start3A_35, %dma_start3A_36] : memref<8x128x64xf32, #tpu.memory_space<vmem>> -> memref<1x128x64xf32, #tpu.memory_space<vmem>>
    %dma_start3A_38 = tpu.memref_squeeze %dma_start3A_37 : memref<1x128x64xf32, #tpu.memory_space<vmem>> -> memref<128x64xf32, #tpu.memory_space<vmem>>
    %dma_start3A_39 = arith.constant 0 : i32
    %dma_start3A_40 = tpu.memref_slice %arg5[%dma_start3A_32, %dma_start3A_39] : memref<200x128xi32, #tpu.memory_space<vmem>> -> memref<1x128xi32, #tpu.memory_space<vmem>>
    %dma_start3A_41 = tpu.memref_squeeze %dma_start3A_40 : memref<1x128xi32, #tpu.memory_space<vmem>> -> memref<128xi32, #tpu.memory_space<vmem>>
    %dma_start3A_42 = arith.constant 0 : i32
    %dma_start3A_43 = arith.constant 0 : i32
    %dma_start3A_44 = tpu.memref_slice %arg3[%dma_start3A_42, %dma_start3A_43] : memref<1000000x64xf32, #tpu.memory_space<hbm>> -> memref<1000000x64xf32, #tpu.memory_space<hbm>>
    %dma_start3A_45 = tpu.memref_slice %arg7[%dma_start3A_34] : memref<8x!tpu.dma_semaphore, #tpu.memory_space<semaphore_mem>> -> memref<1x!tpu.dma_semaphore, #tpu.memory_space<semaphore_mem>>
    %dma_start3A_46 = tpu.memref_squeeze %dma_start3A_45 : memref<1x!tpu.dma_semaphore, #tpu.memory_space<semaphore_mem>> -> memref<!tpu.dma_semaphore, #tpu.memory_space<semaphore_mem>>
    tpu.enqueue_indirect_dma source(%dma_start3A_44 : memref<1000000x64xf32, #tpu.memory_space<hbm>>) target(%dma_start3A_38 : memref<128x64xf32, #tpu.memory_space<vmem>>) offsets(%dma_start3A_41 : memref<128xi32, #tpu.memory_space<vmem>>) semaphore(%dma_start3A_46 : memref<!tpu.dma_semaphore, #tpu.memory_space<semaphore_mem>>)
    %dma_start3A_47 = arith.constant 3 : i32
    %dma_start3A_48 = arith.constant 3 : i32
    %dma_start3A_49 = arith.constant 3 : i32
    %dma_start3A_50 = arith.constant 0 : i32
    %dma_start3A_51 = arith.constant 0 : i32
    %dma_start3A_52 = tpu.memref_slice %arg6[%dma_start3A_48, %dma_start3A_50, %dma_start3A_51] : memref<8x128x64xf32, #tpu.memory_space<vmem>> -> memref<1x128x64xf32, #tpu.memory_space<vmem>>
    %dma_start3A_53 = tpu.memref_squeeze %dma_start3A_52 : memref<1x128x64xf32, #tpu.memory_space<vmem>> -> memref<128x64xf32, #tpu.memory_space<vmem>>
    %dma_start3A_54 = arith.constant 0 : i32
    %dma_start3A_55 = tpu.memref_slice %arg5[%dma_start3A_47, %dma_start3A_54] : memref<200x128xi32, #tpu.memory_space<vmem>> -> memref<1x128xi32, #tpu.memory_space<vmem>>
    %dma_start3A_56 = tpu.memref_squeeze %dma_start3A_55 : memref<1x128xi32, #tpu.memory_space<vmem>> -> memref<128xi32, #tpu.memory_space<vmem>>
    %dma_start3A_57 = arith.constant 0 : i32
    %dma_start3A_58 = arith.constant 0 : i32
    %dma_start3A_59 = tpu.memref_slice %arg3[%dma_start3A_57, %dma_start3A_58] : memref<1000000x64xf32, #tpu.memory_space<hbm>> -> memref<1000000x64xf32, #tpu.memory_space<hbm>>
    %dma_start3A_60 = tpu.memref_slice %arg7[%dma_start3A_49] : memref<8x!tpu.dma_semaphore, #tpu.memory_space<semaphore_mem>> -> memref<1x!tpu.dma_semaphore, #tpu.memory_space<semaphore_mem>>
    %dma_start3A_61 = tpu.memref_squeeze %dma_start3A_60 : memref<1x!tpu.dma_semaphore, #tpu.memory_space<semaphore_mem>> -> memref<!tpu.dma_semaphore, #tpu.memory_space<semaphore_mem>>
    tpu.enqueue_indirect_dma source(%dma_start3A_59 : memref<1000000x64xf32, #tpu.memory_space<hbm>>) target(%dma_start3A_53 : memref<128x64xf32, #tpu.memory_space<vmem>>) offsets(%dma_start3A_56 : memref<128xi32, #tpu.memory_space<vmem>>) semaphore(%dma_start3A_61 : memref<!tpu.dma_semaphore, #tpu.memory_space<semaphore_mem>>)
    %dma_start3A_62 = arith.constant 4 : i32
    %dma_start3A_63 = arith.constant 4 : i32
    %dma_start3A_64 = arith.constant 4 : i32
    %dma_start3A_65 = arith.constant 0 : i32
    %dma_start3A_66 = arith.constant 0 : i32
    %dma_start3A_67 = tpu.memref_slice %arg6[%dma_start3A_63, %dma_start3A_65, %dma_start3A_66] : memref<8x128x64xf32, #tpu.memory_space<vmem>> -> memref<1x128x64xf32, #tpu.memory_space<vmem>>
    %dma_start3A_68 = tpu.memref_squeeze %dma_start3A_67 : memref<1x128x64xf32, #tpu.memory_space<vmem>> -> memref<128x64xf32, #tpu.memory_space<vmem>>
    %dma_start3A_69 = arith.constant 0 : i32
    %dma_start3A_70 = tpu.memref_slice %arg5[%dma_start3A_62, %dma_start3A_69] : memref<200x128xi32, #tpu.memory_space<vmem>> -> memref<1x128xi32, #tpu.memory_space<vmem>>
    %dma_start3A_71 = tpu.memref_squeeze %dma_start3A_70 : memref<1x128xi32, #tpu.memory_space<vmem>> -> memref<128xi32, #tpu.memory_space<vmem>>
    %dma_start3A_72 = arith.constant 0 : i32
    %dma_start3A_73 = arith.constant 0 : i32
    %dma_start3A_74 = tpu.memref_slice %arg3[%dma_start3A_72, %dma_start3A_73] : memref<1000000x64xf32, #tpu.memory_space<hbm>> -> memref<1000000x64xf32, #tpu.memory_space<hbm>>
    %dma_start3A_75 = tpu.memref_slice %arg7[%dma_start3A_64] : memref<8x!tpu.dma_semaphore, #tpu.memory_space<semaphore_mem>> -> memref<1x!tpu.dma_semaphore, #tpu.memory_space<semaphore_mem>>
    %dma_start3A_76 = tpu.memref_squeeze %dma_start3A_75 : memref<1x!tpu.dma_semaphore, #tpu.memory_space<semaphore_mem>> -> memref<!tpu.dma_semaphore, #tpu.memory_space<semaphore_mem>>
    tpu.enqueue_indirect_dma source(%dma_start3A_74 : memref<1000000x64xf32, #tpu.memory_space<hbm>>) target(%dma_start3A_68 : memref<128x64xf32, #tpu.memory_space<vmem>>) offsets(%dma_start3A_71 : memref<128xi32, #tpu.memory_space<vmem>>) semaphore(%dma_start3A_76 : memref<!tpu.dma_semaphore, #tpu.memory_space<semaphore_mem>>)
    %dma_start3A_77 = arith.constant 5 : i32
    %dma_start3A_78 = arith.constant 5 : i32
    %dma_start3A_79 = arith.constant 5 : i32
    %dma_start3A_80 = arith.constant 0 : i32
    %dma_start3A_81 = arith.constant 0 : i32
    %dma_start3A_82 = tpu.memref_slice %arg6[%dma_start3A_78, %dma_start3A_80, %dma_start3A_81] : memref<8x128x64xf32, #tpu.memory_space<vmem>> -> memref<1x128x64xf32, #tpu.memory_space<vmem>>
    %dma_start3A_83 = tpu.memref_squeeze %dma_start3A_82 : memref<1x128x64xf32, #tpu.memory_space<vmem>> -> memref<128x64xf32, #tpu.memory_space<vmem>>
    %dma_start3A_84 = arith.constant 0 : i32
    %dma_start3A_85 = tpu.memref_slice %arg5[%dma_start3A_77, %dma_start3A_84] : memref<200x128xi32, #tpu.memory_space<vmem>> -> memref<1x128xi32, #tpu.memory_space<vmem>>
    %dma_start3A_86 = tpu.memref_squeeze %dma_start3A_85 : memref<1x128xi32, #tpu.memory_space<vmem>> -> memref<128xi32, #tpu.memory_space<vmem>>
    %dma_start3A_87 = arith.constant 0 : i32
    %dma_start3A_88 = arith.constant 0 : i32
    %dma_start3A_89 = tpu.memref_slice %arg3[%dma_start3A_87, %dma_start3A_88] : memref<1000000x64xf32, #tpu.memory_space<hbm>> -> memref<1000000x64xf32, #tpu.memory_space<hbm>>
    %dma_start3A_90 = tpu.memref_slice %arg7[%dma_start3A_79] : memref<8x!tpu.dma_semaphore, #tpu.memory_space<semaphore_mem>> -> memref<1x!tpu.dma_semaphore, #tpu.memory_space<semaphore_mem>>
    %dma_start3A_91 = tpu.memref_squeeze %dma_start3A_90 : memref<1x!tpu.dma_semaphore, #tpu.memory_space<semaphore_mem>> -> memref<!tpu.dma_semaphore, #tpu.memory_space<semaphore_mem>>
    tpu.enqueue_indirect_dma source(%dma_start3A_89 : memref<1000000x64xf32, #tpu.memory_space<hbm>>) target(%dma_start3A_83 : memref<128x64xf32, #tpu.memory_space<vmem>>) offsets(%dma_start3A_86 : memref<128xi32, #tpu.memory_space<vmem>>) semaphore(%dma_start3A_91 : memref<!tpu.dma_semaphore, #tpu.memory_space<semaphore_mem>>)
    %dma_start3A_92 = arith.constant 6 : i32
    %dma_start3A_93 = arith.constant 6 : i32
    %dma_start3A_94 = arith.constant 6 : i32
    %dma_start3A_95 = arith.constant 0 : i32
    %dma_start3A_96 = arith.constant 0 : i32
    %dma_start3A_97 = tpu.memref_slice %arg6[%dma_start3A_93, %dma_start3A_95, %dma_start3A_96] : memref<8x128x64xf32, #tpu.memory_space<vmem>> -> memref<1x128x64xf32, #tpu.memory_space<vmem>>
    %dma_start3A_98 = tpu.memref_squeeze %dma_start3A_97 : memref<1x128x64xf32, #tpu.memory_space<vmem>> -> memref<128x64xf32, #tpu.memory_space<vmem>>
    %dma_start3A_99 = arith.constant 0 : i32
    %dma_start3A_100 = tpu.memref_slice %arg5[%dma_start3A_92, %dma_start3A_99] : memref<200x128xi32, #tpu.memory_space<vmem>> -> memref<1x128xi32, #tpu.memory_space<vmem>>
    %dma_start3A_101 = tpu.memref_squeeze %dma_start3A_100 : memref<1x128xi32, #tpu.memory_space<vmem>> -> memref<128xi32, #tpu.memory_space<vmem>>
    %dma_start3A_102 = arith.constant 0 : i32
    %dma_start3A_103 = arith.constant 0 : i32
    %dma_start3A_104 = tpu.memref_slice %arg3[%dma_start3A_102, %dma_start3A_103] : memref<1000000x64xf32, #tpu.memory_space<hbm>> -> memref<1000000x64xf32, #tpu.memory_space<hbm>>
    %dma_start3A_105 = tpu.memref_slice %arg7[%dma_start3A_94] : memref<8x!tpu.dma_semaphore, #tpu.memory_space<semaphore_mem>> -> memref<1x!tpu.dma_semaphore, #tpu.memory_space<semaphore_mem>>
    %dma_start3A_106 = tpu.memref_squeeze %dma_start3A_105 : memref<1x!tpu.dma_semaphore, #tpu.memory_space<semaphore_mem>> -> memref<!tpu.dma_semaphore, #tpu.memory_space<semaphore_mem>>
    tpu.enqueue_indirect_dma source(%dma_start3A_104 : memref<1000000x64xf32, #tpu.memory_space<hbm>>) target(%dma_start3A_98 : memref<128x64xf32, #tpu.memory_space<vmem>>) offsets(%dma_start3A_101 : memref<128xi32, #tpu.memory_space<vmem>>) semaphore(%dma_start3A_106 : memref<!tpu.dma_semaphore, #tpu.memory_space<semaphore_mem>>)
    %dma_start3A_107 = arith.constant 7 : i32
    %dma_start3A_108 = arith.constant 7 : i32
    %dma_start3A_109 = arith.constant 7 : i32
    %dma_start3A_110 = arith.constant 0 : i32
    %dma_start3A_111 = arith.constant 0 : i32
    %dma_start3A_112 = tpu.memref_slice %arg6[%dma_start3A_108, %dma_start3A_110, %dma_start3A_111] : memref<8x128x64xf32, #tpu.memory_space<vmem>> -> memref<1x128x64xf32, #tpu.memory_space<vmem>>
    %dma_start3A_113 = tpu.memref_squeeze %dma_start3A_112 : memref<1x128x64xf32, #tpu.memory_space<vmem>> -> memref<128x64xf32, #tpu.memory_space<vmem>>
    %dma_start3A_114 = arith.constant 0 : i32
    %dma_start3A_115 = tpu.memref_slice %arg5[%dma_start3A_107, %dma_start3A_114] : memref<200x128xi32, #tpu.memory_space<vmem>> -> memref<1x128xi32, #tpu.memory_space<vmem>>
    %dma_start3A_116 = tpu.memref_squeeze %dma_start3A_115 : memref<1x128xi32, #tpu.memory_space<vmem>> -> memref<128xi32, #tpu.memory_space<vmem>>
    %dma_start3A_117 = arith.constant 0 : i32
    %dma_start3A_118 = arith.constant 0 : i32
    %dma_start3A_119 = tpu.memref_slice %arg3[%dma_start3A_117, %dma_start3A_118] : memref<1000000x64xf32, #tpu.memory_space<hbm>> -> memref<1000000x64xf32, #tpu.memory_space<hbm>>
    %dma_start3A_120 = tpu.memref_slice %arg7[%dma_start3A_109] : memref<8x!tpu.dma_semaphore, #tpu.memory_space<semaphore_mem>> -> memref<1x!tpu.dma_semaphore, #tpu.memory_space<semaphore_mem>>
    %dma_start3A_121 = tpu.memref_squeeze %dma_start3A_120 : memref<1x!tpu.dma_semaphore, #tpu.memory_space<semaphore_mem>> -> memref<!tpu.dma_semaphore, #tpu.memory_space<semaphore_mem>>
    tpu.enqueue_indirect_dma source(%dma_start3A_119 : memref<1000000x64xf32, #tpu.memory_space<hbm>>) target(%dma_start3A_113 : memref<128x64xf32, #tpu.memory_space<vmem>>) offsets(%dma_start3A_116 : memref<128xi32, #tpu.memory_space<vmem>>) semaphore(%dma_start3A_121 : memref<!tpu.dma_semaphore, #tpu.memory_space<semaphore_mem>>)
    %scan3A = arith.constant 0 : i32
    %scan3A_122 = arith.constant 0 : i32
    %scan3A_123 = arith.constant 24 : i32
    %scan3A_124 = arith.addi %scan3A_122, %scan3A_123 : i32
    %scan3A_125 = arith.constant 1 : i32
    scf.for %scan3A_566 = %scan3A_122 to %scan3A_124 step %scan3A_125  : i32 {
      %mul3A_567 = arith.constant 8 : i32
      %mul3A_568 = arith.muli %scan3A_566, %mul3A_567 : i32
      %add3A_569 = arith.constant 0 : i32
      %add3A_570 = arith.addi %mul3A_568, %add3A_569 : i32
      %dma_wait3A_571 = arith.constant 0 : i32
      %dma_wait3A_572 = arith.constant 0 : i32
      %dma_wait3A_573 = arith.constant 0 : i32
      %dma_wait3A_574 = arith.constant 0 : i32
      %dma_wait3A_575 = tpu.memref_slice %arg6[%dma_wait3A_571, %dma_wait3A_573, %dma_wait3A_574] : memref<8x128x64xf32, #tpu.memory_space<vmem>> -> memref<1x128x64xf32, #tpu.memory_space<vmem>>
      %dma_wait3A_576 = tpu.memref_squeeze %dma_wait3A_575 : memref<1x128x64xf32, #tpu.memory_space<vmem>> -> memref<128x64xf32, #tpu.memory_space<vmem>>
      %dma_wait3A_577 = arith.constant 0 : i32
      %dma_wait3A_578 = tpu.memref_slice %arg5[%add3A_570, %dma_wait3A_577] : memref<200x128xi32, #tpu.memory_space<vmem>> -> memref<1x128xi32, #tpu.memory_space<vmem>>
      %dma_wait3A_579 = tpu.memref_squeeze %dma_wait3A_578 : memref<1x128xi32, #tpu.memory_space<vmem>> -> memref<128xi32, #tpu.memory_space<vmem>>
      %dma_wait3A_580 = arith.constant 0 : i32
      %dma_wait3A_581 = arith.constant 0 : i32
      %dma_wait3A_582 = tpu.memref_slice %arg3[%dma_wait3A_580, %dma_wait3A_581] : memref<1000000x64xf32, #tpu.memory_space<hbm>> -> memref<1000000x64xf32, #tpu.memory_space<hbm>>
      %dma_wait3A_583 = tpu.memref_slice %arg7[%dma_wait3A_572] : memref<8x!tpu.dma_semaphore, #tpu.memory_space<semaphore_mem>> -> memref<1x!tpu.dma_semaphore, #tpu.memory_space<semaphore_mem>>
      %dma_wait3A_584 = tpu.memref_squeeze %dma_wait3A_583 : memref<1x!tpu.dma_semaphore, #tpu.memory_space<semaphore_mem>> -> memref<!tpu.dma_semaphore, #tpu.memory_space<semaphore_mem>>
      tpu.wait_indirect_dma semaphore(%dma_wait3A_584 : memref<!tpu.dma_semaphore, #tpu.memory_space<semaphore_mem>>) src(%dma_wait3A_582 : memref<1000000x64xf32, #tpu.memory_space<hbm>>) dst(%dma_wait3A_576 : memref<128x64xf32, #tpu.memory_space<vmem>>)
      %add3A_585 = arith.constant 0 : i32
      %add3A_586 = arith.addi %mul3A_568, %add3A_585 : i32
      %add3A_587 = arith.addi %mul3A_2, %add3A_586 : i32
      %mul3A_588 = arith.constant 128 : i32
      %mul3A_589 = arith.muli %add3A_587, %mul3A_588 : i32
      %dma_start3A_590 = arith.constant 0 : i32
      %dma_start3A_591 = arith.constant 0 : i32
      %dma_start3A_592 = arith.constant 0 : i32
      %dma_start3A_593 = arith.constant 0 : i32
      %dma_start3A_594 = tpu.memref_slice %arg6[%dma_start3A_590, %dma_start3A_592, %dma_start3A_593] : memref<8x128x64xf32, #tpu.memory_space<vmem>> -> memref<1x128x64xf32, #tpu.memory_space<vmem>>
      %dma_start3A_595 = tpu.memref_squeeze %dma_start3A_594 : memref<1x128x64xf32, #tpu.memory_space<vmem>> -> memref<128x64xf32, #tpu.memory_space<vmem>>
      %dma_start3A_596 = arith.constant 0 : i32
      %dma_start3A_597 = tpu.memref_slice %arg4[%mul3A_589, %dma_start3A_596] : memref<819200x64xf32, #tpu.memory_space<hbm>> -> memref<128x64xf32, #tpu.memory_space<hbm>>
      %dma_start3A_598 = tpu.memref_slice %arg8[%dma_start3A_591] : memref<8x!tpu.dma_semaphore, #tpu.memory_space<semaphore_mem>> -> memref<1x!tpu.dma_semaphore, #tpu.memory_space<semaphore_mem>>
      %dma_start3A_599 = tpu.memref_squeeze %dma_start3A_598 : memref<1x!tpu.dma_semaphore, #tpu.memory_space<semaphore_mem>> -> memref<!tpu.dma_semaphore, #tpu.memory_space<semaphore_mem>>
      %dma_start3A_600 = arith.constant 0 : i32
      %dma_start3A_601 = tpu.memref_slice %arg4[%mul3A_589, %dma_start3A_600] : memref<819200x64xf32, #tpu.memory_space<hbm>> -> memref<128x64xf32, #tpu.memory_space<hbm>>
      %dma_start3A_602 = arith.constant 0 : i32
      %dma_start3A_603 = arith.constant 0 : i32
      %dma_start3A_604 = tpu.memref_slice %arg6[%dma_start3A_590, %dma_start3A_602, %dma_start3A_603] : memref<8x128x64xf32, #tpu.memory_space<vmem>> -> memref<1x128x64xf32, #tpu.memory_space<vmem>>
      %dma_start3A_605 = tpu.memref_squeeze %dma_start3A_604 : memref<1x128x64xf32, #tpu.memory_space<vmem>> -> memref<128x64xf32, #tpu.memory_space<vmem>>
      tpu.enqueue_dma source(%dma_start3A_605 : memref<128x64xf32, #tpu.memory_space<vmem>>) target(%dma_start3A_601 : memref<128x64xf32, #tpu.memory_space<hbm>>) target_semaphore(%dma_start3A_599 : memref<!tpu.dma_semaphore, #tpu.memory_space<semaphore_mem>>)
      %add3A_606 = arith.constant 1 : i32
      %add3A_607 = arith.addi %mul3A_568, %add3A_606 : i32
      %dma_wait3A_608 = arith.constant 1 : i32
      %dma_wait3A_609 = arith.constant 1 : i32
      %dma_wait3A_610 = arith.constant 0 : i32
      %dma_wait3A_611 = arith.constant 0 : i32
      %dma_wait3A_612 = tpu.memref_slice %arg6[%dma_wait3A_608, %dma_wait3A_610, %dma_wait3A_611] : memref<8x128x64xf32, #tpu.memory_space<vmem>> -> memref<1x128x64xf32, #tpu.memory_space<vmem>>
      %dma_wait3A_613 = tpu.memref_squeeze %dma_wait3A_612 : memref<1x128x64xf32, #tpu.memory_space<vmem>> -> memref<128x64xf32, #tpu.memory_space<vmem>>
      %dma_wait3A_614 = arith.constant 0 : i32
      %dma_wait3A_615 = tpu.memref_slice %arg5[%add3A_607, %dma_wait3A_614] : memref<200x128xi32, #tpu.memory_space<vmem>> -> memref<1x128xi32, #tpu.memory_space<vmem>>
      %dma_wait3A_616 = tpu.memref_squeeze %dma_wait3A_615 : memref<1x128xi32, #tpu.memory_space<vmem>> -> memref<128xi32, #tpu.memory_space<vmem>>
      %dma_wait3A_617 = arith.constant 0 : i32
      %dma_wait3A_618 = arith.constant 0 : i32
      %dma_wait3A_619 = tpu.memref_slice %arg3[%dma_wait3A_617, %dma_wait3A_618] : memref<1000000x64xf32, #tpu.memory_space<hbm>> -> memref<1000000x64xf32, #tpu.memory_space<hbm>>
      %dma_wait3A_620 = tpu.memref_slice %arg7[%dma_wait3A_609] : memref<8x!tpu.dma_semaphore, #tpu.memory_space<semaphore_mem>> -> memref<1x!tpu.dma_semaphore, #tpu.memory_space<semaphore_mem>>
      %dma_wait3A_621 = tpu.memref_squeeze %dma_wait3A_620 : memref<1x!tpu.dma_semaphore, #tpu.memory_space<semaphore_mem>> -> memref<!tpu.dma_semaphore, #tpu.memory_space<semaphore_mem>>
      tpu.wait_indirect_dma semaphore(%dma_wait3A_621 : memref<!tpu.dma_semaphore, #tpu.memory_space<semaphore_mem>>) src(%dma_wait3A_619 : memref<1000000x64xf32, #tpu.memory_space<hbm>>) dst(%dma_wait3A_613 : memref<128x64xf32, #tpu.memory_space<vmem>>)
      %add3A_622 = arith.constant 1 : i32
      %add3A_623 = arith.addi %mul3A_568, %add3A_622 : i32
      %add3A_624 = arith.addi %mul3A_2, %add3A_623 : i32
      %mul3A_625 = arith.constant 128 : i32
      %mul3A_626 = arith.muli %add3A_624, %mul3A_625 : i32
      %dma_start3A_627 = arith.constant 1 : i32
      %dma_start3A_628 = arith.constant 1 : i32
      %dma_start3A_629 = arith.constant 0 : i32
      %dma_start3A_630 = arith.constant 0 : i32
      %dma_start3A_631 = tpu.memref_slice %arg6[%dma_start3A_627, %dma_start3A_629, %dma_start3A_630] : memref<8x128x64xf32, #tpu.memory_space<vmem>> -> memref<1x128x64xf32, #tpu.memory_space<vmem>>
      %dma_start3A_632 = tpu.memref_squeeze %dma_start3A_631 : memref<1x128x64xf32, #tpu.memory_space<vmem>> -> memref<128x64xf32, #tpu.memory_space<vmem>>
      %dma_start3A_633 = arith.constant 0 : i32
      %dma_start3A_634 = tpu.memref_slice %arg4[%mul3A_626, %dma_start3A_633] : memref<819200x64xf32, #tpu.memory_space<hbm>> -> memref<128x64xf32, #tpu.memory_space<hbm>>
      %dma_start3A_635 = tpu.memref_slice %arg8[%dma_start3A_628] : memref<8x!tpu.dma_semaphore, #tpu.memory_space<semaphore_mem>> -> memref<1x!tpu.dma_semaphore, #tpu.memory_space<semaphore_mem>>
      %dma_start3A_636 = tpu.memref_squeeze %dma_start3A_635 : memref<1x!tpu.dma_semaphore, #tpu.memory_space<semaphore_mem>> -> memref<!tpu.dma_semaphore, #tpu.memory_space<semaphore_mem>>
      %dma_start3A_637 = arith.constant 0 : i32
      %dma_start3A_638 = tpu.memref_slice %arg4[%mul3A_626, %dma_start3A_637] : memref<819200x64xf32, #tpu.memory_space<hbm>> -> memref<128x64xf32, #tpu.memory_space<hbm>>
      %dma_start3A_639 = arith.constant 0 : i32
      %dma_start3A_640 = arith.constant 0 : i32
      %dma_start3A_641 = tpu.memref_slice %arg6[%dma_start3A_627, %dma_start3A_639, %dma_start3A_640] : memref<8x128x64xf32, #tpu.memory_space<vmem>> -> memref<1x128x64xf32, #tpu.memory_space<vmem>>
      %dma_start3A_642 = tpu.memref_squeeze %dma_start3A_641 : memref<1x128x64xf32, #tpu.memory_space<vmem>> -> memref<128x64xf32, #tpu.memory_space<vmem>>
      tpu.enqueue_dma source(%dma_start3A_642 : memref<128x64xf32, #tpu.memory_space<vmem>>) target(%dma_start3A_638 : memref<128x64xf32, #tpu.memory_space<hbm>>) target_semaphore(%dma_start3A_636 : memref<!tpu.dma_semaphore, #tpu.memory_space<semaphore_mem>>)
      %add3A_643 = arith.constant 2 : i32
      %add3A_644 = arith.addi %mul3A_568, %add3A_643 : i32
      %dma_wait3A_645 = arith.constant 2 : i32
      %dma_wait3A_646 = arith.constant 2 : i32
      %dma_wait3A_647 = arith.constant 0 : i32
      %dma_wait3A_648 = arith.constant 0 : i32
      %dma_wait3A_649 = tpu.memref_slice %arg6[%dma_wait3A_645, %dma_wait3A_647, %dma_wait3A_648] : memref<8x128x64xf32, #tpu.memory_space<vmem>> -> memref<1x128x64xf32, #tpu.memory_space<vmem>>
      %dma_wait3A_650 = tpu.memref_squeeze %dma_wait3A_649 : memref<1x128x64xf32, #tpu.memory_space<vmem>> -> memref<128x64xf32, #tpu.memory_space<vmem>>
      %dma_wait3A_651 = arith.constant 0 : i32
      %dma_wait3A_652 = tpu.memref_slice %arg5[%add3A_644, %dma_wait3A_651] : memref<200x128xi32, #tpu.memory_space<vmem>> -> memref<1x128xi32, #tpu.memory_space<vmem>>
      %dma_wait3A_653 = tpu.memref_squeeze %dma_wait3A_652 : memref<1x128xi32, #tpu.memory_space<vmem>> -> memref<128xi32, #tpu.memory_space<vmem>>
      %dma_wait3A_654 = arith.constant 0 : i32
      %dma_wait3A_655 = arith.constant 0 : i32
      %dma_wait3A_656 = tpu.memref_slice %arg3[%dma_wait3A_654, %dma_wait3A_655] : memref<1000000x64xf32, #tpu.memory_space<hbm>> -> memref<1000000x64xf32, #tpu.memory_space<hbm>>
      %dma_wait3A_657 = tpu.memref_slice %arg7[%dma_wait3A_646] : memref<8x!tpu.dma_semaphore, #tpu.memory_space<semaphore_mem>> -> memref<1x!tpu.dma_semaphore, #tpu.memory_space<semaphore_mem>>
      %dma_wait3A_658 = tpu.memref_squeeze %dma_wait3A_657 : memref<1x!tpu.dma_semaphore, #tpu.memory_space<semaphore_mem>> -> memref<!tpu.dma_semaphore, #tpu.memory_space<semaphore_mem>>
      tpu.wait_indirect_dma semaphore(%dma_wait3A_658 : memref<!tpu.dma_semaphore, #tpu.memory_space<semaphore_mem>>) src(%dma_wait3A_656 : memref<1000000x64xf32, #tpu.memory_space<hbm>>) dst(%dma_wait3A_650 : memref<128x64xf32, #tpu.memory_space<vmem>>)
      %add3A_659 = arith.constant 2 : i32
      %add3A_660 = arith.addi %mul3A_568, %add3A_659 : i32
      %add3A_661 = arith.addi %mul3A_2, %add3A_660 : i32
      %mul3A_662 = arith.constant 128 : i32
      %mul3A_663 = arith.muli %add3A_661, %mul3A_662 : i32
      %dma_start3A_664 = arith.constant 2 : i32
      %dma_start3A_665 = arith.constant 2 : i32
      %dma_start3A_666 = arith.constant 0 : i32
      %dma_start3A_667 = arith.constant 0 : i32
      %dma_start3A_668 = tpu.memref_slice %arg6[%dma_start3A_664, %dma_start3A_666, %dma_start3A_667] : memref<8x128x64xf32, #tpu.memory_space<vmem>> -> memref<1x128x64xf32, #tpu.memory_space<vmem>>
      %dma_start3A_669 = tpu.memref_squeeze %dma_start3A_668 : memref<1x128x64xf32, #tpu.memory_space<vmem>> -> memref<128x64xf32, #tpu.memory_space<vmem>>
      %dma_start3A_670 = arith.constant 0 : i32
      %dma_start3A_671 = tpu.memref_slice %arg4[%mul3A_663, %dma_start3A_670] : memref<819200x64xf32, #tpu.memory_space<hbm>> -> memref<128x64xf32, #tpu.memory_space<hbm>>
      %dma_start3A_672 = tpu.memref_slice %arg8[%dma_start3A_665] : memref<8x!tpu.dma_semaphore, #tpu.memory_space<semaphore_mem>> -> memref<1x!tpu.dma_semaphore, #tpu.memory_space<semaphore_mem>>
      %dma_start3A_673 = tpu.memref_squeeze %dma_start3A_672 : memref<1x!tpu.dma_semaphore, #tpu.memory_space<semaphore_mem>> -> memref<!tpu.dma_semaphore, #tpu.memory_space<semaphore_mem>>
      %dma_start3A_674 = arith.constant 0 : i32
      %dma_start3A_675 = tpu.memref_slice %arg4[%mul3A_663, %dma_start3A_674] : memref<819200x64xf32, #tpu.memory_space<hbm>> -> memref<128x64xf32, #tpu.memory_space<hbm>>
      %dma_start3A_676 = arith.constant 0 : i32
      %dma_start3A_677 = arith.constant 0 : i32
      %dma_start3A_678 = tpu.memref_slice %arg6[%dma_start3A_664, %dma_start3A_676, %dma_start3A_677] : memref<8x128x64xf32, #tpu.memory_space<vmem>> -> memref<1x128x64xf32, #tpu.memory_space<vmem>>
      %dma_start3A_679 = tpu.memref_squeeze %dma_start3A_678 : memref<1x128x64xf32, #tpu.memory_space<vmem>> -> memref<128x64xf32, #tpu.memory_space<vmem>>
      tpu.enqueue_dma source(%dma_start3A_679 : memref<128x64xf32, #tpu.memory_space<vmem>>) target(%dma_start3A_675 : memref<128x64xf32, #tpu.memory_space<hbm>>) target_semaphore(%dma_start3A_673 : memref<!tpu.dma_semaphore, #tpu.memory_space<semaphore_mem>>)
      %add3A_680 = arith.constant 3 : i32
      %add3A_681 = arith.addi %mul3A_568, %add3A_680 : i32
      %dma_wait3A_682 = arith.constant 3 : i32
      %dma_wait3A_683 = arith.constant 3 : i32
      %dma_wait3A_684 = arith.constant 0 : i32
      %dma_wait3A_685 = arith.constant 0 : i32
      %dma_wait3A_686 = tpu.memref_slice %arg6[%dma_wait3A_682, %dma_wait3A_684, %dma_wait3A_685] : memref<8x128x64xf32, #tpu.memory_space<vmem>> -> memref<1x128x64xf32, #tpu.memory_space<vmem>>
      %dma_wait3A_687 = tpu.memref_squeeze %dma_wait3A_686 : memref<1x128x64xf32, #tpu.memory_space<vmem>> -> memref<128x64xf32, #tpu.memory_space<vmem>>
      %dma_wait3A_688 = arith.constant 0 : i32
      %dma_wait3A_689 = tpu.memref_slice %arg5[%add3A_681, %dma_wait3A_688] : memref<200x128xi32, #tpu.memory_space<vmem>> -> memref<1x128xi32, #tpu.memory_space<vmem>>
      %dma_wait3A_690 = tpu.memref_squeeze %dma_wait3A_689 : memref<1x128xi32, #tpu.memory_space<vmem>> -> memref<128xi32, #tpu.memory_space<vmem>>
      %dma_wait3A_691 = arith.constant 0 : i32
      %dma_wait3A_692 = arith.constant 0 : i32
      %dma_wait3A_693 = tpu.memref_slice %arg3[%dma_wait3A_691, %dma_wait3A_692] : memref<1000000x64xf32, #tpu.memory_space<hbm>> -> memref<1000000x64xf32, #tpu.memory_space<hbm>>
      %dma_wait3A_694 = tpu.memref_slice %arg7[%dma_wait3A_683] : memref<8x!tpu.dma_semaphore, #tpu.memory_space<semaphore_mem>> -> memref<1x!tpu.dma_semaphore, #tpu.memory_space<semaphore_mem>>
      %dma_wait3A_695 = tpu.memref_squeeze %dma_wait3A_694 : memref<1x!tpu.dma_semaphore, #tpu.memory_space<semaphore_mem>> -> memref<!tpu.dma_semaphore, #tpu.memory_space<semaphore_mem>>
      tpu.wait_indirect_dma semaphore(%dma_wait3A_695 : memref<!tpu.dma_semaphore, #tpu.memory_space<semaphore_mem>>) src(%dma_wait3A_693 : memref<1000000x64xf32, #tpu.memory_space<hbm>>) dst(%dma_wait3A_687 : memref<128x64xf32, #tpu.memory_space<vmem>>)
      %add3A_696 = arith.constant 3 : i32
      %add3A_697 = arith.addi %mul3A_568, %add3A_696 : i32
      %add3A_698 = arith.addi %mul3A_2, %add3A_697 : i32
      %mul3A_699 = arith.constant 128 : i32
      %mul3A_700 = arith.muli %add3A_698, %mul3A_699 : i32
      %dma_start3A_701 = arith.constant 3 : i32
      %dma_start3A_702 = arith.constant 3 : i32
      %dma_start3A_703 = arith.constant 0 : i32
      %dma_start3A_704 = arith.constant 0 : i32
      %dma_start3A_705 = tpu.memref_slice %arg6[%dma_start3A_701, %dma_start3A_703, %dma_start3A_704] : memref<8x128x64xf32, #tpu.memory_space<vmem>> -> memref<1x128x64xf32, #tpu.memory_space<vmem>>
      %dma_start3A_706 = tpu.memref_squeeze %dma_start3A_705 : memref<1x128x64xf32, #tpu.memory_space<vmem>> -> memref<128x64xf32, #tpu.memory_space<vmem>>
      %dma_start3A_707 = arith.constant 0 : i32
      %dma_start3A_708 = tpu.memref_slice %arg4[%mul3A_700, %dma_start3A_707] : memref<819200x64xf32, #tpu.memory_space<hbm>> -> memref<128x64xf32, #tpu.memory_space<hbm>>
      %dma_start3A_709 = tpu.memref_slice %arg8[%dma_start3A_702] : memref<8x!tpu.dma_semaphore, #tpu.memory_space<semaphore_mem>> -> memref<1x!tpu.dma_semaphore, #tpu.memory_space<semaphore_mem>>
      %dma_start3A_710 = tpu.memref_squeeze %dma_start3A_709 : memref<1x!tpu.dma_semaphore, #tpu.memory_space<semaphore_mem>> -> memref<!tpu.dma_semaphore, #tpu.memory_space<semaphore_mem>>
      %dma_start3A_711 = arith.constant 0 : i32
      %dma_start3A_712 = tpu.memref_slice %arg4[%mul3A_700, %dma_start3A_711] : memref<819200x64xf32, #tpu.memory_space<hbm>> -> memref<128x64xf32, #tpu.memory_space<hbm>>
      %dma_start3A_713 = arith.constant 0 : i32
      %dma_start3A_714 = arith.constant 0 : i32
      %dma_start3A_715 = tpu.memref_slice %arg6[%dma_start3A_701, %dma_start3A_713, %dma_start3A_714] : memref<8x128x64xf32, #tpu.memory_space<vmem>> -> memref<1x128x64xf32, #tpu.memory_space<vmem>>
      %dma_start3A_716 = tpu.memref_squeeze %dma_start3A_715 : memref<1x128x64xf32, #tpu.memory_space<vmem>> -> memref<128x64xf32, #tpu.memory_space<vmem>>
      tpu.enqueue_dma source(%dma_start3A_716 : memref<128x64xf32, #tpu.memory_space<vmem>>) target(%dma_start3A_712 : memref<128x64xf32, #tpu.memory_space<hbm>>) target_semaphore(%dma_start3A_710 : memref<!tpu.dma_semaphore, #tpu.memory_space<semaphore_mem>>)
      %add3A_717 = arith.constant 4 : i32
      %add3A_718 = arith.addi %mul3A_568, %add3A_717 : i32
      %dma_wait3A_719 = arith.constant 4 : i32
      %dma_wait3A_720 = arith.constant 4 : i32
      %dma_wait3A_721 = arith.constant 0 : i32
      %dma_wait3A_722 = arith.constant 0 : i32
      %dma_wait3A_723 = tpu.memref_slice %arg6[%dma_wait3A_719, %dma_wait3A_721, %dma_wait3A_722] : memref<8x128x64xf32, #tpu.memory_space<vmem>> -> memref<1x128x64xf32, #tpu.memory_space<vmem>>
      %dma_wait3A_724 = tpu.memref_squeeze %dma_wait3A_723 : memref<1x128x64xf32, #tpu.memory_space<vmem>> -> memref<128x64xf32, #tpu.memory_space<vmem>>
      %dma_wait3A_725 = arith.constant 0 : i32
      %dma_wait3A_726 = tpu.memref_slice %arg5[%add3A_718, %dma_wait3A_725] : memref<200x128xi32, #tpu.memory_space<vmem>> -> memref<1x128xi32, #tpu.memory_space<vmem>>
      %dma_wait3A_727 = tpu.memref_squeeze %dma_wait3A_726 : memref<1x128xi32, #tpu.memory_space<vmem>> -> memref<128xi32, #tpu.memory_space<vmem>>
      %dma_wait3A_728 = arith.constant 0 : i32
      %dma_wait3A_729 = arith.constant 0 : i32
      %dma_wait3A_730 = tpu.memref_slice %arg3[%dma_wait3A_728, %dma_wait3A_729] : memref<1000000x64xf32, #tpu.memory_space<hbm>> -> memref<1000000x64xf32, #tpu.memory_space<hbm>>
      %dma_wait3A_731 = tpu.memref_slice %arg7[%dma_wait3A_720] : memref<8x!tpu.dma_semaphore, #tpu.memory_space<semaphore_mem>> -> memref<1x!tpu.dma_semaphore, #tpu.memory_space<semaphore_mem>>
      %dma_wait3A_732 = tpu.memref_squeeze %dma_wait3A_731 : memref<1x!tpu.dma_semaphore, #tpu.memory_space<semaphore_mem>> -> memref<!tpu.dma_semaphore, #tpu.memory_space<semaphore_mem>>
      tpu.wait_indirect_dma semaphore(%dma_wait3A_732 : memref<!tpu.dma_semaphore, #tpu.memory_space<semaphore_mem>>) src(%dma_wait3A_730 : memref<1000000x64xf32, #tpu.memory_space<hbm>>) dst(%dma_wait3A_724 : memref<128x64xf32, #tpu.memory_space<vmem>>)
      %add3A_733 = arith.constant 4 : i32
      %add3A_734 = arith.addi %mul3A_568, %add3A_733 : i32
      %add3A_735 = arith.addi %mul3A_2, %add3A_734 : i32
      %mul3A_736 = arith.constant 128 : i32
      %mul3A_737 = arith.muli %add3A_735, %mul3A_736 : i32
      %dma_start3A_738 = arith.constant 4 : i32
      %dma_start3A_739 = arith.constant 4 : i32
      %dma_start3A_740 = arith.constant 0 : i32
      %dma_start3A_741 = arith.constant 0 : i32
      %dma_start3A_742 = tpu.memref_slice %arg6[%dma_start3A_738, %dma_start3A_740, %dma_start3A_741] : memref<8x128x64xf32, #tpu.memory_space<vmem>> -> memref<1x128x64xf32, #tpu.memory_space<vmem>>
      %dma_start3A_743 = tpu.memref_squeeze %dma_start3A_742 : memref<1x128x64xf32, #tpu.memory_space<vmem>> -> memref<128x64xf32, #tpu.memory_space<vmem>>
      %dma_start3A_744 = arith.constant 0 : i32
      %dma_start3A_745 = tpu.memref_slice %arg4[%mul3A_737, %dma_start3A_744] : memref<819200x64xf32, #tpu.memory_space<hbm>> -> memref<128x64xf32, #tpu.memory_space<hbm>>
      %dma_start3A_746 = tpu.memref_slice %arg8[%dma_start3A_739] : memref<8x!tpu.dma_semaphore, #tpu.memory_space<semaphore_mem>> -> memref<1x!tpu.dma_semaphore, #tpu.memory_space<semaphore_mem>>
      %dma_start3A_747 = tpu.memref_squeeze %dma_start3A_746 : memref<1x!tpu.dma_semaphore, #tpu.memory_space<semaphore_mem>> -> memref<!tpu.dma_semaphore, #tpu.memory_space<semaphore_mem>>
      %dma_start3A_748 = arith.constant 0 : i32
      %dma_start3A_749 = tpu.memref_slice %arg4[%mul3A_737, %dma_start3A_748] : memref<819200x64xf32, #tpu.memory_space<hbm>> -> memref<128x64xf32, #tpu.memory_space<hbm>>
      %dma_start3A_750 = arith.constant 0 : i32
      %dma_start3A_751 = arith.constant 0 : i32
      %dma_start3A_752 = tpu.memref_slice %arg6[%dma_start3A_738, %dma_start3A_750, %dma_start3A_751] : memref<8x128x64xf32, #tpu.memory_space<vmem>> -> memref<1x128x64xf32, #tpu.memory_space<vmem>>
      %dma_start3A_753 = tpu.memref_squeeze %dma_start3A_752 : memref<1x128x64xf32, #tpu.memory_space<vmem>> -> memref<128x64xf32, #tpu.memory_space<vmem>>
      tpu.enqueue_dma source(%dma_start3A_753 : memref<128x64xf32, #tpu.memory_space<vmem>>) target(%dma_start3A_749 : memref<128x64xf32, #tpu.memory_space<hbm>>) target_semaphore(%dma_start3A_747 : memref<!tpu.dma_semaphore, #tpu.memory_space<semaphore_mem>>)
      %add3A_754 = arith.constant 5 : i32
      %add3A_755 = arith.addi %mul3A_568, %add3A_754 : i32
      %dma_wait3A_756 = arith.constant 5 : i32
      %dma_wait3A_757 = arith.constant 5 : i32
      %dma_wait3A_758 = arith.constant 0 : i32
      %dma_wait3A_759 = arith.constant 0 : i32
      %dma_wait3A_760 = tpu.memref_slice %arg6[%dma_wait3A_756, %dma_wait3A_758, %dma_wait3A_759] : memref<8x128x64xf32, #tpu.memory_space<vmem>> -> memref<1x128x64xf32, #tpu.memory_space<vmem>>
      %dma_wait3A_761 = tpu.memref_squeeze %dma_wait3A_760 : memref<1x128x64xf32, #tpu.memory_space<vmem>> -> memref<128x64xf32, #tpu.memory_space<vmem>>
      %dma_wait3A_762 = arith.constant 0 : i32
      %dma_wait3A_763 = tpu.memref_slice %arg5[%add3A_755, %dma_wait3A_762] : memref<200x128xi32, #tpu.memory_space<vmem>> -> memref<1x128xi32, #tpu.memory_space<vmem>>
      %dma_wait3A_764 = tpu.memref_squeeze %dma_wait3A_763 : memref<1x128xi32, #tpu.memory_space<vmem>> -> memref<128xi32, #tpu.memory_space<vmem>>
      %dma_wait3A_765 = arith.constant 0 : i32
      %dma_wait3A_766 = arith.constant 0 : i32
      %dma_wait3A_767 = tpu.memref_slice %arg3[%dma_wait3A_765, %dma_wait3A_766] : memref<1000000x64xf32, #tpu.memory_space<hbm>> -> memref<1000000x64xf32, #tpu.memory_space<hbm>>
      %dma_wait3A_768 = tpu.memref_slice %arg7[%dma_wait3A_757] : memref<8x!tpu.dma_semaphore, #tpu.memory_space<semaphore_mem>> -> memref<1x!tpu.dma_semaphore, #tpu.memory_space<semaphore_mem>>
      %dma_wait3A_769 = tpu.memref_squeeze %dma_wait3A_768 : memref<1x!tpu.dma_semaphore, #tpu.memory_space<semaphore_mem>> -> memref<!tpu.dma_semaphore, #tpu.memory_space<semaphore_mem>>
      tpu.wait_indirect_dma semaphore(%dma_wait3A_769 : memref<!tpu.dma_semaphore, #tpu.memory_space<semaphore_mem>>) src(%dma_wait3A_767 : memref<1000000x64xf32, #tpu.memory_space<hbm>>) dst(%dma_wait3A_761 : memref<128x64xf32, #tpu.memory_space<vmem>>)
      %add3A_770 = arith.constant 5 : i32
      %add3A_771 = arith.addi %mul3A_568, %add3A_770 : i32
      %add3A_772 = arith.addi %mul3A_2, %add3A_771 : i32
      %mul3A_773 = arith.constant 128 : i32
      %mul3A_774 = arith.muli %add3A_772, %mul3A_773 : i32
      %dma_start3A_775 = arith.constant 5 : i32
      %dma_start3A_776 = arith.constant 5 : i32
      %dma_start3A_777 = arith.constant 0 : i32
      %dma_start3A_778 = arith.constant 0 : i32
      %dma_start3A_779 = tpu.memref_slice %arg6[%dma_start3A_775, %dma_start3A_777, %dma_start3A_778] : memref<8x128x64xf32, #tpu.memory_space<vmem>> -> memref<1x128x64xf32, #tpu.memory_space<vmem>>
      %dma_start3A_780 = tpu.memref_squeeze %dma_start3A_779 : memref<1x128x64xf32, #tpu.memory_space<vmem>> -> memref<128x64xf32, #tpu.memory_space<vmem>>
      %dma_start3A_781 = arith.constant 0 : i32
      %dma_start3A_782 = tpu.memref_slice %arg4[%mul3A_774, %dma_start3A_781] : memref<819200x64xf32, #tpu.memory_space<hbm>> -> memref<128x64xf32, #tpu.memory_space<hbm>>
      %dma_start3A_783 = tpu.memref_slice %arg8[%dma_start3A_776] : memref<8x!tpu.dma_semaphore, #tpu.memory_space<semaphore_mem>> -> memref<1x!tpu.dma_semaphore, #tpu.memory_space<semaphore_mem>>
      %dma_start3A_784 = tpu.memref_squeeze %dma_start3A_783 : memref<1x!tpu.dma_semaphore, #tpu.memory_space<semaphore_mem>> -> memref<!tpu.dma_semaphore, #tpu.memory_space<semaphore_mem>>
      %dma_start3A_785 = arith.constant 0 : i32
      %dma_start3A_786 = tpu.memref_slice %arg4[%mul3A_774, %dma_start3A_785] : memref<819200x64xf32, #tpu.memory_space<hbm>> -> memref<128x64xf32, #tpu.memory_space<hbm>>
      %dma_start3A_787 = arith.constant 0 : i32
      %dma_start3A_788 = arith.constant 0 : i32
      %dma_start3A_789 = tpu.memref_slice %arg6[%dma_start3A_775, %dma_start3A_787, %dma_start3A_788] : memref<8x128x64xf32, #tpu.memory_space<vmem>> -> memref<1x128x64xf32, #tpu.memory_space<vmem>>
      %dma_start3A_790 = tpu.memref_squeeze %dma_start3A_789 : memref<1x128x64xf32, #tpu.memory_space<vmem>> -> memref<128x64xf32, #tpu.memory_space<vmem>>
      tpu.enqueue_dma source(%dma_start3A_790 : memref<128x64xf32, #tpu.memory_space<vmem>>) target(%dma_start3A_786 : memref<128x64xf32, #tpu.memory_space<hbm>>) target_semaphore(%dma_start3A_784 : memref<!tpu.dma_semaphore, #tpu.memory_space<semaphore_mem>>)
      %add3A_791 = arith.constant 6 : i32
      %add3A_792 = arith.addi %mul3A_568, %add3A_791 : i32
      %dma_wait3A_793 = arith.constant 6 : i32
      %dma_wait3A_794 = arith.constant 6 : i32
      %dma_wait3A_795 = arith.constant 0 : i32
      %dma_wait3A_796 = arith.constant 0 : i32
      %dma_wait3A_797 = tpu.memref_slice %arg6[%dma_wait3A_793, %dma_wait3A_795, %dma_wait3A_796] : memref<8x128x64xf32, #tpu.memory_space<vmem>> -> memref<1x128x64xf32, #tpu.memory_space<vmem>>
      %dma_wait3A_798 = tpu.memref_squeeze %dma_wait3A_797 : memref<1x128x64xf32, #tpu.memory_space<vmem>> -> memref<128x64xf32, #tpu.memory_space<vmem>>
      %dma_wait3A_799 = arith.constant 0 : i32
      %dma_wait3A_800 = tpu.memref_slice %arg5[%add3A_792, %dma_wait3A_799] : memref<200x128xi32, #tpu.memory_space<vmem>> -> memref<1x128xi32, #tpu.memory_space<vmem>>
      %dma_wait3A_801 = tpu.memref_squeeze %dma_wait3A_800 : memref<1x128xi32, #tpu.memory_space<vmem>> -> memref<128xi32, #tpu.memory_space<vmem>>
      %dma_wait3A_802 = arith.constant 0 : i32
      %dma_wait3A_803 = arith.constant 0 : i32
      %dma_wait3A_804 = tpu.memref_slice %arg3[%dma_wait3A_802, %dma_wait3A_803] : memref<1000000x64xf32, #tpu.memory_space<hbm>> -> memref<1000000x64xf32, #tpu.memory_space<hbm>>
      %dma_wait3A_805 = tpu.memref_slice %arg7[%dma_wait3A_794] : memref<8x!tpu.dma_semaphore, #tpu.memory_space<semaphore_mem>> -> memref<1x!tpu.dma_semaphore, #tpu.memory_space<semaphore_mem>>
      %dma_wait3A_806 = tpu.memref_squeeze %dma_wait3A_805 : memref<1x!tpu.dma_semaphore, #tpu.memory_space<semaphore_mem>> -> memref<!tpu.dma_semaphore, #tpu.memory_space<semaphore_mem>>
      tpu.wait_indirect_dma semaphore(%dma_wait3A_806 : memref<!tpu.dma_semaphore, #tpu.memory_space<semaphore_mem>>) src(%dma_wait3A_804 : memref<1000000x64xf32, #tpu.memory_space<hbm>>) dst(%dma_wait3A_798 : memref<128x64xf32, #tpu.memory_space<vmem>>)
      %add3A_807 = arith.constant 6 : i32
      %add3A_808 = arith.addi %mul3A_568, %add3A_807 : i32
      %add3A_809 = arith.addi %mul3A_2, %add3A_808 : i32
      %mul3A_810 = arith.constant 128 : i32
      %mul3A_811 = arith.muli %add3A_809, %mul3A_810 : i32
      %dma_start3A_812 = arith.constant 6 : i32
      %dma_start3A_813 = arith.constant 6 : i32
      %dma_start3A_814 = arith.constant 0 : i32
      %dma_start3A_815 = arith.constant 0 : i32
      %dma_start3A_816 = tpu.memref_slice %arg6[%dma_start3A_812, %dma_start3A_814, %dma_start3A_815] : memref<8x128x64xf32, #tpu.memory_space<vmem>> -> memref<1x128x64xf32, #tpu.memory_space<vmem>>
      %dma_start3A_817 = tpu.memref_squeeze %dma_start3A_816 : memref<1x128x64xf32, #tpu.memory_space<vmem>> -> memref<128x64xf32, #tpu.memory_space<vmem>>
      %dma_start3A_818 = arith.constant 0 : i32
      %dma_start3A_819 = tpu.memref_slice %arg4[%mul3A_811, %dma_start3A_818] : memref<819200x64xf32, #tpu.memory_space<hbm>> -> memref<128x64xf32, #tpu.memory_space<hbm>>
      %dma_start3A_820 = tpu.memref_slice %arg8[%dma_start3A_813] : memref<8x!tpu.dma_semaphore, #tpu.memory_space<semaphore_mem>> -> memref<1x!tpu.dma_semaphore, #tpu.memory_space<semaphore_mem>>
      %dma_start3A_821 = tpu.memref_squeeze %dma_start3A_820 : memref<1x!tpu.dma_semaphore, #tpu.memory_space<semaphore_mem>> -> memref<!tpu.dma_semaphore, #tpu.memory_space<semaphore_mem>>
      %dma_start3A_822 = arith.constant 0 : i32
      %dma_start3A_823 = tpu.memref_slice %arg4[%mul3A_811, %dma_start3A_822] : memref<819200x64xf32, #tpu.memory_space<hbm>> -> memref<128x64xf32, #tpu.memory_space<hbm>>
      %dma_start3A_824 = arith.constant 0 : i32
      %dma_start3A_825 = arith.constant 0 : i32
      %dma_start3A_826 = tpu.memref_slice %arg6[%dma_start3A_812, %dma_start3A_824, %dma_start3A_825] : memref<8x128x64xf32, #tpu.memory_space<vmem>> -> memref<1x128x64xf32, #tpu.memory_space<vmem>>
      %dma_start3A_827 = tpu.memref_squeeze %dma_start3A_826 : memref<1x128x64xf32, #tpu.memory_space<vmem>> -> memref<128x64xf32, #tpu.memory_space<vmem>>
      tpu.enqueue_dma source(%dma_start3A_827 : memref<128x64xf32, #tpu.memory_space<vmem>>) target(%dma_start3A_823 : memref<128x64xf32, #tpu.memory_space<hbm>>) target_semaphore(%dma_start3A_821 : memref<!tpu.dma_semaphore, #tpu.memory_space<semaphore_mem>>)
      %add3A_828 = arith.constant 7 : i32
      %add3A_829 = arith.addi %mul3A_568, %add3A_828 : i32
      %dma_wait3A_830 = arith.constant 7 : i32
      %dma_wait3A_831 = arith.constant 7 : i32
      %dma_wait3A_832 = arith.constant 0 : i32
      %dma_wait3A_833 = arith.constant 0 : i32
      %dma_wait3A_834 = tpu.memref_slice %arg6[%dma_wait3A_830, %dma_wait3A_832, %dma_wait3A_833] : memref<8x128x64xf32, #tpu.memory_space<vmem>> -> memref<1x128x64xf32, #tpu.memory_space<vmem>>
      %dma_wait3A_835 = tpu.memref_squeeze %dma_wait3A_834 : memref<1x128x64xf32, #tpu.memory_space<vmem>> -> memref<128x64xf32, #tpu.memory_space<vmem>>
      %dma_wait3A_836 = arith.constant 0 : i32
      %dma_wait3A_837 = tpu.memref_slice %arg5[%add3A_829, %dma_wait3A_836] : memref<200x128xi32, #tpu.memory_space<vmem>> -> memref<1x128xi32, #tpu.memory_space<vmem>>
      %dma_wait3A_838 = tpu.memref_squeeze %dma_wait3A_837 : memref<1x128xi32, #tpu.memory_space<vmem>> -> memref<128xi32, #tpu.memory_space<vmem>>
      %dma_wait3A_839 = arith.constant 0 : i32
      %dma_wait3A_840 = arith.constant 0 : i32
      %dma_wait3A_841 = tpu.memref_slice %arg3[%dma_wait3A_839, %dma_wait3A_840] : memref<1000000x64xf32, #tpu.memory_space<hbm>> -> memref<1000000x64xf32, #tpu.memory_space<hbm>>
      %dma_wait3A_842 = tpu.memref_slice %arg7[%dma_wait3A_831] : memref<8x!tpu.dma_semaphore, #tpu.memory_space<semaphore_mem>> -> memref<1x!tpu.dma_semaphore, #tpu.memory_space<semaphore_mem>>
      %dma_wait3A_843 = tpu.memref_squeeze %dma_wait3A_842 : memref<1x!tpu.dma_semaphore, #tpu.memory_space<semaphore_mem>> -> memref<!tpu.dma_semaphore, #tpu.memory_space<semaphore_mem>>
      tpu.wait_indirect_dma semaphore(%dma_wait3A_843 : memref<!tpu.dma_semaphore, #tpu.memory_space<semaphore_mem>>) src(%dma_wait3A_841 : memref<1000000x64xf32, #tpu.memory_space<hbm>>) dst(%dma_wait3A_835 : memref<128x64xf32, #tpu.memory_space<vmem>>)
      %add3A_844 = arith.constant 7 : i32
      %add3A_845 = arith.addi %mul3A_568, %add3A_844 : i32
      %add3A_846 = arith.addi %mul3A_2, %add3A_845 : i32
      %mul3A_847 = arith.constant 128 : i32
      %mul3A_848 = arith.muli %add3A_846, %mul3A_847 : i32
      %dma_start3A_849 = arith.constant 7 : i32
      %dma_start3A_850 = arith.constant 7 : i32
      %dma_start3A_851 = arith.constant 0 : i32
      %dma_start3A_852 = arith.constant 0 : i32
      %dma_start3A_853 = tpu.memref_slice %arg6[%dma_start3A_849, %dma_start3A_851, %dma_start3A_852] : memref<8x128x64xf32, #tpu.memory_space<vmem>> -> memref<1x128x64xf32, #tpu.memory_space<vmem>>
      %dma_start3A_854 = tpu.memref_squeeze %dma_start3A_853 : memref<1x128x64xf32, #tpu.memory_space<vmem>> -> memref<128x64xf32, #tpu.memory_space<vmem>>
      %dma_start3A_855 = arith.constant 0 : i32
      %dma_start3A_856 = tpu.memref_slice %arg4[%mul3A_848, %dma_start3A_855] : memref<819200x64xf32, #tpu.memory_space<hbm>> -> memref<128x64xf32, #tpu.memory_space<hbm>>
      %dma_start3A_857 = tpu.memref_slice %arg8[%dma_start3A_850] : memref<8x!tpu.dma_semaphore, #tpu.memory_space<semaphore_mem>> -> memref<1x!tpu.dma_semaphore, #tpu.memory_space<semaphore_mem>>
      %dma_start3A_858 = tpu.memref_squeeze %dma_start3A_857 : memref<1x!tpu.dma_semaphore, #tpu.memory_space<semaphore_mem>> -> memref<!tpu.dma_semaphore, #tpu.memory_space<semaphore_mem>>
      %dma_start3A_859 = arith.constant 0 : i32
      %dma_start3A_860 = tpu.memref_slice %arg4[%mul3A_848, %dma_start3A_859] : memref<819200x64xf32, #tpu.memory_space<hbm>> -> memref<128x64xf32, #tpu.memory_space<hbm>>
      %dma_start3A_861 = arith.constant 0 : i32
      %dma_start3A_862 = arith.constant 0 : i32
      %dma_start3A_863 = tpu.memref_slice %arg6[%dma_start3A_849, %dma_start3A_861, %dma_start3A_862] : memref<8x128x64xf32, #tpu.memory_space<vmem>> -> memref<1x128x64xf32, #tpu.memory_space<vmem>>
      %dma_start3A_864 = tpu.memref_squeeze %dma_start3A_863 : memref<1x128x64xf32, #tpu.memory_space<vmem>> -> memref<128x64xf32, #tpu.memory_space<vmem>>
      tpu.enqueue_dma source(%dma_start3A_864 : memref<128x64xf32, #tpu.memory_space<vmem>>) target(%dma_start3A_860 : memref<128x64xf32, #tpu.memory_space<hbm>>) target_semaphore(%dma_start3A_858 : memref<!tpu.dma_semaphore, #tpu.memory_space<semaphore_mem>>)
      %add3A_865 = arith.constant 0 : i32
      %add3A_866 = arith.addi %mul3A_568, %add3A_865 : i32
      %add3A_867 = arith.addi %mul3A_2, %add3A_866 : i32
      %mul3A_868 = arith.constant 128 : i32
      %mul3A_869 = arith.muli %add3A_867, %mul3A_868 : i32
      %dma_wait3A_870 = arith.constant 0 : i32
      %dma_wait3A_871 = arith.constant 0 : i32
      %dma_wait3A_872 = arith.constant 0 : i32
      %dma_wait3A_873 = arith.constant 0 : i32
      %dma_wait3A_874 = tpu.memref_slice %arg6[%dma_wait3A_870, %dma_wait3A_872, %dma_wait3A_873] : memref<8x128x64xf32, #tpu.memory_space<vmem>> -> memref<1x128x64xf32, #tpu.memory_space<vmem>>
      %dma_wait3A_875 = tpu.memref_squeeze %dma_wait3A_874 : memref<1x128x64xf32, #tpu.memory_space<vmem>> -> memref<128x64xf32, #tpu.memory_space<vmem>>
      %dma_wait3A_876 = arith.constant 0 : i32
      %dma_wait3A_877 = tpu.memref_slice %arg4[%mul3A_869, %dma_wait3A_876] : memref<819200x64xf32, #tpu.memory_space<hbm>> -> memref<128x64xf32, #tpu.memory_space<hbm>>
      %dma_wait3A_878 = tpu.memref_slice %arg8[%dma_wait3A_871] : memref<8x!tpu.dma_semaphore, #tpu.memory_space<semaphore_mem>> -> memref<1x!tpu.dma_semaphore, #tpu.memory_space<semaphore_mem>>
      %dma_wait3A_879 = tpu.memref_squeeze %dma_wait3A_878 : memref<1x!tpu.dma_semaphore, #tpu.memory_space<semaphore_mem>> -> memref<!tpu.dma_semaphore, #tpu.memory_space<semaphore_mem>>
      %dma_wait3A_880 = arith.constant 0 : i32
      %dma_wait3A_881 = tpu.memref_slice %arg4[%mul3A_869, %dma_wait3A_880] : memref<819200x64xf32, #tpu.memory_space<hbm>> -> memref<128x64xf32, #tpu.memory_space<hbm>>
      %dma_wait3A_882 = arith.constant 0 : i32
      %dma_wait3A_883 = arith.constant 0 : i32
      %dma_wait3A_884 = tpu.memref_slice %arg6[%dma_wait3A_870, %dma_wait3A_882, %dma_wait3A_883] : memref<8x128x64xf32, #tpu.memory_space<vmem>> -> memref<1x128x64xf32, #tpu.memory_space<vmem>>
      %dma_wait3A_885 = tpu.memref_squeeze %dma_wait3A_884 : memref<1x128x64xf32, #tpu.memory_space<vmem>> -> memref<128x64xf32, #tpu.memory_space<vmem>>
      tpu.wait_dma2 semaphore(%dma_wait3A_879 : memref<!tpu.dma_semaphore, #tpu.memory_space<semaphore_mem>>) src(%dma_wait3A_885 : memref<128x64xf32, #tpu.memory_space<vmem>>) dst(%dma_wait3A_881 : memref<128x64xf32, #tpu.memory_space<hbm>>)
      %add3A_886 = arith.constant 8 : i32
      %add3A_887 = arith.addi %mul3A_568, %add3A_886 : i32
      %add3A_888 = arith.constant 0 : i32
      %add3A_889 = arith.addi %add3A_887, %add3A_888 : i32
      %dma_start3A_890 = arith.constant 0 : i32
      %dma_start3A_891 = arith.constant 0 : i32
      %dma_start3A_892 = arith.constant 0 : i32
      %dma_start3A_893 = arith.constant 0 : i32
      %dma_start3A_894 = tpu.memref_slice %arg6[%dma_start3A_890, %dma_start3A_892, %dma_start3A_893] : memref<8x128x64xf32, #tpu.memory_space<vmem>> -> memref<1x128x64xf32, #tpu.memory_space<vmem>>
      %dma_start3A_895 = tpu.memref_squeeze %dma_start3A_894 : memref<1x128x64xf32, #tpu.memory_space<vmem>> -> memref<128x64xf32, #tpu.memory_space<vmem>>
      %dma_start3A_896 = arith.constant 0 : i32
      %dma_start3A_897 = tpu.memref_slice %arg5[%add3A_889, %dma_start3A_896] : memref<200x128xi32, #tpu.memory_space<vmem>> -> memref<1x128xi32, #tpu.memory_space<vmem>>
      %dma_start3A_898 = tpu.memref_squeeze %dma_start3A_897 : memref<1x128xi32, #tpu.memory_space<vmem>> -> memref<128xi32, #tpu.memory_space<vmem>>
      %dma_start3A_899 = arith.constant 0 : i32
      %dma_start3A_900 = arith.constant 0 : i32
      %dma_start3A_901 = tpu.memref_slice %arg3[%dma_start3A_899, %dma_start3A_900] : memref<1000000x64xf32, #tpu.memory_space<hbm>> -> memref<1000000x64xf32, #tpu.memory_space<hbm>>
      %dma_start3A_902 = tpu.memref_slice %arg7[%dma_start3A_891] : memref<8x!tpu.dma_semaphore, #tpu.memory_space<semaphore_mem>> -> memref<1x!tpu.dma_semaphore, #tpu.memory_space<semaphore_mem>>
      %dma_start3A_903 = tpu.memref_squeeze %dma_start3A_902 : memref<1x!tpu.dma_semaphore, #tpu.memory_space<semaphore_mem>> -> memref<!tpu.dma_semaphore, #tpu.memory_space<semaphore_mem>>
      tpu.enqueue_indirect_dma source(%dma_start3A_901 : memref<1000000x64xf32, #tpu.memory_space<hbm>>) target(%dma_start3A_895 : memref<128x64xf32, #tpu.memory_space<vmem>>) offsets(%dma_start3A_898 : memref<128xi32, #tpu.memory_space<vmem>>) semaphore(%dma_start3A_903 : memref<!tpu.dma_semaphore, #tpu.memory_space<semaphore_mem>>)
      %add3A_904 = arith.constant 1 : i32
      %add3A_905 = arith.addi %mul3A_568, %add3A_904 : i32
      %add3A_906 = arith.addi %mul3A_2, %add3A_905 : i32
      %mul3A_907 = arith.constant 128 : i32
      %mul3A_908 = arith.muli %add3A_906, %mul3A_907 : i32
      %dma_wait3A_909 = arith.constant 1 : i32
      %dma_wait3A_910 = arith.constant 1 : i32
      %dma_wait3A_911 = arith.constant 0 : i32
      %dma_wait3A_912 = arith.constant 0 : i32
      %dma_wait3A_913 = tpu.memref_slice %arg6[%dma_wait3A_909, %dma_wait3A_911, %dma_wait3A_912] : memref<8x128x64xf32, #tpu.memory_space<vmem>> -> memref<1x128x64xf32, #tpu.memory_space<vmem>>
      %dma_wait3A_914 = tpu.memref_squeeze %dma_wait3A_913 : memref<1x128x64xf32, #tpu.memory_space<vmem>> -> memref<128x64xf32, #tpu.memory_space<vmem>>
      %dma_wait3A_915 = arith.constant 0 : i32
      %dma_wait3A_916 = tpu.memref_slice %arg4[%mul3A_908, %dma_wait3A_915] : memref<819200x64xf32, #tpu.memory_space<hbm>> -> memref<128x64xf32, #tpu.memory_space<hbm>>
      %dma_wait3A_917 = tpu.memref_slice %arg8[%dma_wait3A_910] : memref<8x!tpu.dma_semaphore, #tpu.memory_space<semaphore_mem>> -> memref<1x!tpu.dma_semaphore, #tpu.memory_space<semaphore_mem>>
      %dma_wait3A_918 = tpu.memref_squeeze %dma_wait3A_917 : memref<1x!tpu.dma_semaphore, #tpu.memory_space<semaphore_mem>> -> memref<!tpu.dma_semaphore, #tpu.memory_space<semaphore_mem>>
      %dma_wait3A_919 = arith.constant 0 : i32
      %dma_wait3A_920 = tpu.memref_slice %arg4[%mul3A_908, %dma_wait3A_919] : memref<819200x64xf32, #tpu.memory_space<hbm>> -> memref<128x64xf32, #tpu.memory_space<hbm>>
      %dma_wait3A_921 = arith.constant 0 : i32
      %dma_wait3A_922 = arith.constant 0 : i32
      %dma_wait3A_923 = tpu.memref_slice %arg6[%dma_wait3A_909, %dma_wait3A_921, %dma_wait3A_922] : memref<8x128x64xf32, #tpu.memory_space<vmem>> -> memref<1x128x64xf32, #tpu.memory_space<vmem>>
      %dma_wait3A_924 = tpu.memref_squeeze %dma_wait3A_923 : memref<1x128x64xf32, #tpu.memory_space<vmem>> -> memref<128x64xf32, #tpu.memory_space<vmem>>
      tpu.wait_dma2 semaphore(%dma_wait3A_918 : memref<!tpu.dma_semaphore, #tpu.memory_space<semaphore_mem>>) src(%dma_wait3A_924 : memref<128x64xf32, #tpu.memory_space<vmem>>) dst(%dma_wait3A_920 : memref<128x64xf32, #tpu.memory_space<hbm>>)
      %add3A_925 = arith.constant 8 : i32
      %add3A_926 = arith.addi %mul3A_568, %add3A_925 : i32
      %add3A_927 = arith.constant 1 : i32
      %add3A_928 = arith.addi %add3A_926, %add3A_927 : i32
      %dma_start3A_929 = arith.constant 1 : i32
      %dma_start3A_930 = arith.constant 1 : i32
      %dma_start3A_931 = arith.constant 0 : i32
      %dma_start3A_932 = arith.constant 0 : i32
      %dma_start3A_933 = tpu.memref_slice %arg6[%dma_start3A_929, %dma_start3A_931, %dma_start3A_932] : memref<8x128x64xf32, #tpu.memory_space<vmem>> -> memref<1x128x64xf32, #tpu.memory_space<vmem>>
      %dma_start3A_934 = tpu.memref_squeeze %dma_start3A_933 : memref<1x128x64xf32, #tpu.memory_space<vmem>> -> memref<128x64xf32, #tpu.memory_space<vmem>>
      %dma_start3A_935 = arith.constant 0 : i32
      %dma_start3A_936 = tpu.memref_slice %arg5[%add3A_928, %dma_start3A_935] : memref<200x128xi32, #tpu.memory_space<vmem>> -> memref<1x128xi32, #tpu.memory_space<vmem>>
      %dma_start3A_937 = tpu.memref_squeeze %dma_start3A_936 : memref<1x128xi32, #tpu.memory_space<vmem>> -> memref<128xi32, #tpu.memory_space<vmem>>
      %dma_start3A_938 = arith.constant 0 : i32
      %dma_start3A_939 = arith.constant 0 : i32
      %dma_start3A_940 = tpu.memref_slice %arg3[%dma_start3A_938, %dma_start3A_939] : memref<1000000x64xf32, #tpu.memory_space<hbm>> -> memref<1000000x64xf32, #tpu.memory_space<hbm>>
      %dma_start3A_941 = tpu.memref_slice %arg7[%dma_start3A_930] : memref<8x!tpu.dma_semaphore, #tpu.memory_space<semaphore_mem>> -> memref<1x!tpu.dma_semaphore, #tpu.memory_space<semaphore_mem>>
      %dma_start3A_942 = tpu.memref_squeeze %dma_start3A_941 : memref<1x!tpu.dma_semaphore, #tpu.memory_space<semaphore_mem>> -> memref<!tpu.dma_semaphore, #tpu.memory_space<semaphore_mem>>
      tpu.enqueue_indirect_dma source(%dma_start3A_940 : memref<1000000x64xf32, #tpu.memory_space<hbm>>) target(%dma_start3A_934 : memref<128x64xf32, #tpu.memory_space<vmem>>) offsets(%dma_start3A_937 : memref<128xi32, #tpu.memory_space<vmem>>) semaphore(%dma_start3A_942 : memref<!tpu.dma_semaphore, #tpu.memory_space<semaphore_mem>>)
      %add3A_943 = arith.constant 2 : i32
      %add3A_944 = arith.addi %mul3A_568, %add3A_943 : i32
      %add3A_945 = arith.addi %mul3A_2, %add3A_944 : i32
      %mul3A_946 = arith.constant 128 : i32
      %mul3A_947 = arith.muli %add3A_945, %mul3A_946 : i32
      %dma_wait3A_948 = arith.constant 2 : i32
      %dma_wait3A_949 = arith.constant 2 : i32
      %dma_wait3A_950 = arith.constant 0 : i32
      %dma_wait3A_951 = arith.constant 0 : i32
      %dma_wait3A_952 = tpu.memref_slice %arg6[%dma_wait3A_948, %dma_wait3A_950, %dma_wait3A_951] : memref<8x128x64xf32, #tpu.memory_space<vmem>> -> memref<1x128x64xf32, #tpu.memory_space<vmem>>
      %dma_wait3A_953 = tpu.memref_squeeze %dma_wait3A_952 : memref<1x128x64xf32, #tpu.memory_space<vmem>> -> memref<128x64xf32, #tpu.memory_space<vmem>>
      %dma_wait3A_954 = arith.constant 0 : i32
      %dma_wait3A_955 = tpu.memref_slice %arg4[%mul3A_947, %dma_wait3A_954] : memref<819200x64xf32, #tpu.memory_space<hbm>> -> memref<128x64xf32, #tpu.memory_space<hbm>>
      %dma_wait3A_956 = tpu.memref_slice %arg8[%dma_wait3A_949] : memref<8x!tpu.dma_semaphore, #tpu.memory_space<semaphore_mem>> -> memref<1x!tpu.dma_semaphore, #tpu.memory_space<semaphore_mem>>
      %dma_wait3A_957 = tpu.memref_squeeze %dma_wait3A_956 : memref<1x!tpu.dma_semaphore, #tpu.memory_space<semaphore_mem>> -> memref<!tpu.dma_semaphore, #tpu.memory_space<semaphore_mem>>
      %dma_wait3A_958 = arith.constant 0 : i32
      %dma_wait3A_959 = tpu.memref_slice %arg4[%mul3A_947, %dma_wait3A_958] : memref<819200x64xf32, #tpu.memory_space<hbm>> -> memref<128x64xf32, #tpu.memory_space<hbm>>
      %dma_wait3A_960 = arith.constant 0 : i32
      %dma_wait3A_961 = arith.constant 0 : i32
      %dma_wait3A_962 = tpu.memref_slice %arg6[%dma_wait3A_948, %dma_wait3A_960, %dma_wait3A_961] : memref<8x128x64xf32, #tpu.memory_space<vmem>> -> memref<1x128x64xf32, #tpu.memory_space<vmem>>
      %dma_wait3A_963 = tpu.memref_squeeze %dma_wait3A_962 : memref<1x128x64xf32, #tpu.memory_space<vmem>> -> memref<128x64xf32, #tpu.memory_space<vmem>>
      tpu.wait_dma2 semaphore(%dma_wait3A_957 : memref<!tpu.dma_semaphore, #tpu.memory_space<semaphore_mem>>) src(%dma_wait3A_963 : memref<128x64xf32, #tpu.memory_space<vmem>>) dst(%dma_wait3A_959 : memref<128x64xf32, #tpu.memory_space<hbm>>)
      %add3A_964 = arith.constant 8 : i32
      %add3A_965 = arith.addi %mul3A_568, %add3A_964 : i32
      %add3A_966 = arith.constant 2 : i32
      %add3A_967 = arith.addi %add3A_965, %add3A_966 : i32
      %dma_start3A_968 = arith.constant 2 : i32
      %dma_start3A_969 = arith.constant 2 : i32
      %dma_start3A_970 = arith.constant 0 : i32
      %dma_start3A_971 = arith.constant 0 : i32
      %dma_start3A_972 = tpu.memref_slice %arg6[%dma_start3A_968, %dma_start3A_970, %dma_start3A_971] : memref<8x128x64xf32, #tpu.memory_space<vmem>> -> memref<1x128x64xf32, #tpu.memory_space<vmem>>
      %dma_start3A_973 = tpu.memref_squeeze %dma_start3A_972 : memref<1x128x64xf32, #tpu.memory_space<vmem>> -> memref<128x64xf32, #tpu.memory_space<vmem>>
      %dma_start3A_974 = arith.constant 0 : i32
      %dma_start3A_975 = tpu.memref_slice %arg5[%add3A_967, %dma_start3A_974] : memref<200x128xi32, #tpu.memory_space<vmem>> -> memref<1x128xi32, #tpu.memory_space<vmem>>
      %dma_start3A_976 = tpu.memref_squeeze %dma_start3A_975 : memref<1x128xi32, #tpu.memory_space<vmem>> -> memref<128xi32, #tpu.memory_space<vmem>>
      %dma_start3A_977 = arith.constant 0 : i32
      %dma_start3A_978 = arith.constant 0 : i32
      %dma_start3A_979 = tpu.memref_slice %arg3[%dma_start3A_977, %dma_start3A_978] : memref<1000000x64xf32, #tpu.memory_space<hbm>> -> memref<1000000x64xf32, #tpu.memory_space<hbm>>
      %dma_start3A_980 = tpu.memref_slice %arg7[%dma_start3A_969] : memref<8x!tpu.dma_semaphore, #tpu.memory_space<semaphore_mem>> -> memref<1x!tpu.dma_semaphore, #tpu.memory_space<semaphore_mem>>
      %dma_start3A_981 = tpu.memref_squeeze %dma_start3A_980 : memref<1x!tpu.dma_semaphore, #tpu.memory_space<semaphore_mem>> -> memref<!tpu.dma_semaphore, #tpu.memory_space<semaphore_mem>>
      tpu.enqueue_indirect_dma source(%dma_start3A_979 : memref<1000000x64xf32, #tpu.memory_space<hbm>>) target(%dma_start3A_973 : memref<128x64xf32, #tpu.memory_space<vmem>>) offsets(%dma_start3A_976 : memref<128xi32, #tpu.memory_space<vmem>>) semaphore(%dma_start3A_981 : memref<!tpu.dma_semaphore, #tpu.memory_space<semaphore_mem>>)
      %add3A_982 = arith.constant 3 : i32
      %add3A_983 = arith.addi %mul3A_568, %add3A_982 : i32
      %add3A_984 = arith.addi %mul3A_2, %add3A_983 : i32
      %mul3A_985 = arith.constant 128 : i32
      %mul3A_986 = arith.muli %add3A_984, %mul3A_985 : i32
      %dma_wait3A_987 = arith.constant 3 : i32
      %dma_wait3A_988 = arith.constant 3 : i32
      %dma_wait3A_989 = arith.constant 0 : i32
      %dma_wait3A_990 = arith.constant 0 : i32
      %dma_wait3A_991 = tpu.memref_slice %arg6[%dma_wait3A_987, %dma_wait3A_989, %dma_wait3A_990] : memref<8x128x64xf32, #tpu.memory_space<vmem>> -> memref<1x128x64xf32, #tpu.memory_space<vmem>>
      %dma_wait3A_992 = tpu.memref_squeeze %dma_wait3A_991 : memref<1x128x64xf32, #tpu.memory_space<vmem>> -> memref<128x64xf32, #tpu.memory_space<vmem>>
      %dma_wait3A_993 = arith.constant 0 : i32
      %dma_wait3A_994 = tpu.memref_slice %arg4[%mul3A_986, %dma_wait3A_993] : memref<819200x64xf32, #tpu.memory_space<hbm>> -> memref<128x64xf32, #tpu.memory_space<hbm>>
      %dma_wait3A_995 = tpu.memref_slice %arg8[%dma_wait3A_988] : memref<8x!tpu.dma_semaphore, #tpu.memory_space<semaphore_mem>> -> memref<1x!tpu.dma_semaphore, #tpu.memory_space<semaphore_mem>>
      %dma_wait3A_996 = tpu.memref_squeeze %dma_wait3A_995 : memref<1x!tpu.dma_semaphore, #tpu.memory_space<semaphore_mem>> -> memref<!tpu.dma_semaphore, #tpu.memory_space<semaphore_mem>>
      %dma_wait3A_997 = arith.constant 0 : i32
      %dma_wait3A_998 = tpu.memref_slice %arg4[%mul3A_986, %dma_wait3A_997] : memref<819200x64xf32, #tpu.memory_space<hbm>> -> memref<128x64xf32, #tpu.memory_space<hbm>>
      %dma_wait3A_999 = arith.constant 0 : i32
      %dma_wait3A_1000 = arith.constant 0 : i32
      %dma_wait3A_1001 = tpu.memref_slice %arg6[%dma_wait3A_987, %dma_wait3A_999, %dma_wait3A_1000] : memref<8x128x64xf32, #tpu.memory_space<vmem>> -> memref<1x128x64xf32, #tpu.memory_space<vmem>>
      %dma_wait3A_1002 = tpu.memref_squeeze %dma_wait3A_1001 : memref<1x128x64xf32, #tpu.memory_space<vmem>> -> memref<128x64xf32, #tpu.memory_space<vmem>>
      tpu.wait_dma2 semaphore(%dma_wait3A_996 : memref<!tpu.dma_semaphore, #tpu.memory_space<semaphore_mem>>) src(%dma_wait3A_1002 : memref<128x64xf32, #tpu.memory_space<vmem>>) dst(%dma_wait3A_998 : memref<128x64xf32, #tpu.memory_space<hbm>>)
      %add3A_1003 = arith.constant 8 : i32
      %add3A_1004 = arith.addi %mul3A_568, %add3A_1003 : i32
      %add3A_1005 = arith.constant 3 : i32
      %add3A_1006 = arith.addi %add3A_1004, %add3A_1005 : i32
      %dma_start3A_1007 = arith.constant 3 : i32
      %dma_start3A_1008 = arith.constant 3 : i32
      %dma_start3A_1009 = arith.constant 0 : i32
      %dma_start3A_1010 = arith.constant 0 : i32
      %dma_start3A_1011 = tpu.memref_slice %arg6[%dma_start3A_1007, %dma_start3A_1009, %dma_start3A_1010] : memref<8x128x64xf32, #tpu.memory_space<vmem>> -> memref<1x128x64xf32, #tpu.memory_space<vmem>>
      %dma_start3A_1012 = tpu.memref_squeeze %dma_start3A_1011 : memref<1x128x64xf32, #tpu.memory_space<vmem>> -> memref<128x64xf32, #tpu.memory_space<vmem>>
      %dma_start3A_1013 = arith.constant 0 : i32
      %dma_start3A_1014 = tpu.memref_slice %arg5[%add3A_1006, %dma_start3A_1013] : memref<200x128xi32, #tpu.memory_space<vmem>> -> memref<1x128xi32, #tpu.memory_space<vmem>>
      %dma_start3A_1015 = tpu.memref_squeeze %dma_start3A_1014 : memref<1x128xi32, #tpu.memory_space<vmem>> -> memref<128xi32, #tpu.memory_space<vmem>>
      %dma_start3A_1016 = arith.constant 0 : i32
      %dma_start3A_1017 = arith.constant 0 : i32
      %dma_start3A_1018 = tpu.memref_slice %arg3[%dma_start3A_1016, %dma_start3A_1017] : memref<1000000x64xf32, #tpu.memory_space<hbm>> -> memref<1000000x64xf32, #tpu.memory_space<hbm>>
      %dma_start3A_1019 = tpu.memref_slice %arg7[%dma_start3A_1008] : memref<8x!tpu.dma_semaphore, #tpu.memory_space<semaphore_mem>> -> memref<1x!tpu.dma_semaphore, #tpu.memory_space<semaphore_mem>>
      %dma_start3A_1020 = tpu.memref_squeeze %dma_start3A_1019 : memref<1x!tpu.dma_semaphore, #tpu.memory_space<semaphore_mem>> -> memref<!tpu.dma_semaphore, #tpu.memory_space<semaphore_mem>>
      tpu.enqueue_indirect_dma source(%dma_start3A_1018 : memref<1000000x64xf32, #tpu.memory_space<hbm>>) target(%dma_start3A_1012 : memref<128x64xf32, #tpu.memory_space<vmem>>) offsets(%dma_start3A_1015 : memref<128xi32, #tpu.memory_space<vmem>>) semaphore(%dma_start3A_1020 : memref<!tpu.dma_semaphore, #tpu.memory_space<semaphore_mem>>)
      %add3A_1021 = arith.constant 4 : i32
      %add3A_1022 = arith.addi %mul3A_568, %add3A_1021 : i32
      %add3A_1023 = arith.addi %mul3A_2, %add3A_1022 : i32
      %mul3A_1024 = arith.constant 128 : i32
      %mul3A_1025 = arith.muli %add3A_1023, %mul3A_1024 : i32
      %dma_wait3A_1026 = arith.constant 4 : i32
      %dma_wait3A_1027 = arith.constant 4 : i32
      %dma_wait3A_1028 = arith.constant 0 : i32
      %dma_wait3A_1029 = arith.constant 0 : i32
      %dma_wait3A_1030 = tpu.memref_slice %arg6[%dma_wait3A_1026, %dma_wait3A_1028, %dma_wait3A_1029] : memref<8x128x64xf32, #tpu.memory_space<vmem>> -> memref<1x128x64xf32, #tpu.memory_space<vmem>>
      %dma_wait3A_1031 = tpu.memref_squeeze %dma_wait3A_1030 : memref<1x128x64xf32, #tpu.memory_space<vmem>> -> memref<128x64xf32, #tpu.memory_space<vmem>>
      %dma_wait3A_1032 = arith.constant 0 : i32
      %dma_wait3A_1033 = tpu.memref_slice %arg4[%mul3A_1025, %dma_wait3A_1032] : memref<819200x64xf32, #tpu.memory_space<hbm>> -> memref<128x64xf32, #tpu.memory_space<hbm>>
      %dma_wait3A_1034 = tpu.memref_slice %arg8[%dma_wait3A_1027] : memref<8x!tpu.dma_semaphore, #tpu.memory_space<semaphore_mem>> -> memref<1x!tpu.dma_semaphore, #tpu.memory_space<semaphore_mem>>
      %dma_wait3A_1035 = tpu.memref_squeeze %dma_wait3A_1034 : memref<1x!tpu.dma_semaphore, #tpu.memory_space<semaphore_mem>> -> memref<!tpu.dma_semaphore, #tpu.memory_space<semaphore_mem>>
      %dma_wait3A_1036 = arith.constant 0 : i32
      %dma_wait3A_1037 = tpu.memref_slice %arg4[%mul3A_1025, %dma_wait3A_1036] : memref<819200x64xf32, #tpu.memory_space<hbm>> -> memref<128x64xf32, #tpu.memory_space<hbm>>
      %dma_wait3A_1038 = arith.constant 0 : i32
      %dma_wait3A_1039 = arith.constant 0 : i32
      %dma_wait3A_1040 = tpu.memref_slice %arg6[%dma_wait3A_1026, %dma_wait3A_1038, %dma_wait3A_1039] : memref<8x128x64xf32, #tpu.memory_space<vmem>> -> memref<1x128x64xf32, #tpu.memory_space<vmem>>
      %dma_wait3A_1041 = tpu.memref_squeeze %dma_wait3A_1040 : memref<1x128x64xf32, #tpu.memory_space<vmem>> -> memref<128x64xf32, #tpu.memory_space<vmem>>
      tpu.wait_dma2 semaphore(%dma_wait3A_1035 : memref<!tpu.dma_semaphore, #tpu.memory_space<semaphore_mem>>) src(%dma_wait3A_1041 : memref<128x64xf32, #tpu.memory_space<vmem>>) dst(%dma_wait3A_1037 : memref<128x64xf32, #tpu.memory_space<hbm>>)
      %add3A_1042 = arith.constant 8 : i32
      %add3A_1043 = arith.addi %mul3A_568, %add3A_1042 : i32
      %add3A_1044 = arith.constant 4 : i32
      %add3A_1045 = arith.addi %add3A_1043, %add3A_1044 : i32
      %dma_start3A_1046 = arith.constant 4 : i32
      %dma_start3A_1047 = arith.constant 4 : i32
      %dma_start3A_1048 = arith.constant 0 : i32
      %dma_start3A_1049 = arith.constant 0 : i32
      %dma_start3A_1050 = tpu.memref_slice %arg6[%dma_start3A_1046, %dma_start3A_1048, %dma_start3A_1049] : memref<8x128x64xf32, #tpu.memory_space<vmem>> -> memref<1x128x64xf32, #tpu.memory_space<vmem>>
      %dma_start3A_1051 = tpu.memref_squeeze %dma_start3A_1050 : memref<1x128x64xf32, #tpu.memory_space<vmem>> -> memref<128x64xf32, #tpu.memory_space<vmem>>
      %dma_start3A_1052 = arith.constant 0 : i32
      %dma_start3A_1053 = tpu.memref_slice %arg5[%add3A_1045, %dma_start3A_1052] : memref<200x128xi32, #tpu.memory_space<vmem>> -> memref<1x128xi32, #tpu.memory_space<vmem>>
      %dma_start3A_1054 = tpu.memref_squeeze %dma_start3A_1053 : memref<1x128xi32, #tpu.memory_space<vmem>> -> memref<128xi32, #tpu.memory_space<vmem>>
      %dma_start3A_1055 = arith.constant 0 : i32
      %dma_start3A_1056 = arith.constant 0 : i32
      %dma_start3A_1057 = tpu.memref_slice %arg3[%dma_start3A_1055, %dma_start3A_1056] : memref<1000000x64xf32, #tpu.memory_space<hbm>> -> memref<1000000x64xf32, #tpu.memory_space<hbm>>
      %dma_start3A_1058 = tpu.memref_slice %arg7[%dma_start3A_1047] : memref<8x!tpu.dma_semaphore, #tpu.memory_space<semaphore_mem>> -> memref<1x!tpu.dma_semaphore, #tpu.memory_space<semaphore_mem>>
      %dma_start3A_1059 = tpu.memref_squeeze %dma_start3A_1058 : memref<1x!tpu.dma_semaphore, #tpu.memory_space<semaphore_mem>> -> memref<!tpu.dma_semaphore, #tpu.memory_space<semaphore_mem>>
      tpu.enqueue_indirect_dma source(%dma_start3A_1057 : memref<1000000x64xf32, #tpu.memory_space<hbm>>) target(%dma_start3A_1051 : memref<128x64xf32, #tpu.memory_space<vmem>>) offsets(%dma_start3A_1054 : memref<128xi32, #tpu.memory_space<vmem>>) semaphore(%dma_start3A_1059 : memref<!tpu.dma_semaphore, #tpu.memory_space<semaphore_mem>>)
      %add3A_1060 = arith.constant 5 : i32
      %add3A_1061 = arith.addi %mul3A_568, %add3A_1060 : i32
      %add3A_1062 = arith.addi %mul3A_2, %add3A_1061 : i32
      %mul3A_1063 = arith.constant 128 : i32
      %mul3A_1064 = arith.muli %add3A_1062, %mul3A_1063 : i32
      %dma_wait3A_1065 = arith.constant 5 : i32
      %dma_wait3A_1066 = arith.constant 5 : i32
      %dma_wait3A_1067 = arith.constant 0 : i32
      %dma_wait3A_1068 = arith.constant 0 : i32
      %dma_wait3A_1069 = tpu.memref_slice %arg6[%dma_wait3A_1065, %dma_wait3A_1067, %dma_wait3A_1068] : memref<8x128x64xf32, #tpu.memory_space<vmem>> -> memref<1x128x64xf32, #tpu.memory_space<vmem>>
      %dma_wait3A_1070 = tpu.memref_squeeze %dma_wait3A_1069 : memref<1x128x64xf32, #tpu.memory_space<vmem>> -> memref<128x64xf32, #tpu.memory_space<vmem>>
      %dma_wait3A_1071 = arith.constant 0 : i32
      %dma_wait3A_1072 = tpu.memref_slice %arg4[%mul3A_1064, %dma_wait3A_1071] : memref<819200x64xf32, #tpu.memory_space<hbm>> -> memref<128x64xf32, #tpu.memory_space<hbm>>
      %dma_wait3A_1073 = tpu.memref_slice %arg8[%dma_wait3A_1066] : memref<8x!tpu.dma_semaphore, #tpu.memory_space<semaphore_mem>> -> memref<1x!tpu.dma_semaphore, #tpu.memory_space<semaphore_mem>>
      %dma_wait3A_1074 = tpu.memref_squeeze %dma_wait3A_1073 : memref<1x!tpu.dma_semaphore, #tpu.memory_space<semaphore_mem>> -> memref<!tpu.dma_semaphore, #tpu.memory_space<semaphore_mem>>
      %dma_wait3A_1075 = arith.constant 0 : i32
      %dma_wait3A_1076 = tpu.memref_slice %arg4[%mul3A_1064, %dma_wait3A_1075] : memref<819200x64xf32, #tpu.memory_space<hbm>> -> memref<128x64xf32, #tpu.memory_space<hbm>>
      %dma_wait3A_1077 = arith.constant 0 : i32
      %dma_wait3A_1078 = arith.constant 0 : i32
      %dma_wait3A_1079 = tpu.memref_slice %arg6[%dma_wait3A_1065, %dma_wait3A_1077, %dma_wait3A_1078] : memref<8x128x64xf32, #tpu.memory_space<vmem>> -> memref<1x128x64xf32, #tpu.memory_space<vmem>>
      %dma_wait3A_1080 = tpu.memref_squeeze %dma_wait3A_1079 : memref<1x128x64xf32, #tpu.memory_space<vmem>> -> memref<128x64xf32, #tpu.memory_space<vmem>>
      tpu.wait_dma2 semaphore(%dma_wait3A_1074 : memref<!tpu.dma_semaphore, #tpu.memory_space<semaphore_mem>>) src(%dma_wait3A_1080 : memref<128x64xf32, #tpu.memory_space<vmem>>) dst(%dma_wait3A_1076 : memref<128x64xf32, #tpu.memory_space<hbm>>)
      %add3A_1081 = arith.constant 8 : i32
      %add3A_1082 = arith.addi %mul3A_568, %add3A_1081 : i32
      %add3A_1083 = arith.constant 5 : i32
      %add3A_1084 = arith.addi %add3A_1082, %add3A_1083 : i32
      %dma_start3A_1085 = arith.constant 5 : i32
      %dma_start3A_1086 = arith.constant 5 : i32
      %dma_start3A_1087 = arith.constant 0 : i32
      %dma_start3A_1088 = arith.constant 0 : i32
      %dma_start3A_1089 = tpu.memref_slice %arg6[%dma_start3A_1085, %dma_start3A_1087, %dma_start3A_1088] : memref<8x128x64xf32, #tpu.memory_space<vmem>> -> memref<1x128x64xf32, #tpu.memory_space<vmem>>
      %dma_start3A_1090 = tpu.memref_squeeze %dma_start3A_1089 : memref<1x128x64xf32, #tpu.memory_space<vmem>> -> memref<128x64xf32, #tpu.memory_space<vmem>>
      %dma_start3A_1091 = arith.constant 0 : i32
      %dma_start3A_1092 = tpu.memref_slice %arg5[%add3A_1084, %dma_start3A_1091] : memref<200x128xi32, #tpu.memory_space<vmem>> -> memref<1x128xi32, #tpu.memory_space<vmem>>
      %dma_start3A_1093 = tpu.memref_squeeze %dma_start3A_1092 : memref<1x128xi32, #tpu.memory_space<vmem>> -> memref<128xi32, #tpu.memory_space<vmem>>
      %dma_start3A_1094 = arith.constant 0 : i32
      %dma_start3A_1095 = arith.constant 0 : i32
      %dma_start3A_1096 = tpu.memref_slice %arg3[%dma_start3A_1094, %dma_start3A_1095] : memref<1000000x64xf32, #tpu.memory_space<hbm>> -> memref<1000000x64xf32, #tpu.memory_space<hbm>>
      %dma_start3A_1097 = tpu.memref_slice %arg7[%dma_start3A_1086] : memref<8x!tpu.dma_semaphore, #tpu.memory_space<semaphore_mem>> -> memref<1x!tpu.dma_semaphore, #tpu.memory_space<semaphore_mem>>
      %dma_start3A_1098 = tpu.memref_squeeze %dma_start3A_1097 : memref<1x!tpu.dma_semaphore, #tpu.memory_space<semaphore_mem>> -> memref<!tpu.dma_semaphore, #tpu.memory_space<semaphore_mem>>
      tpu.enqueue_indirect_dma source(%dma_start3A_1096 : memref<1000000x64xf32, #tpu.memory_space<hbm>>) target(%dma_start3A_1090 : memref<128x64xf32, #tpu.memory_space<vmem>>) offsets(%dma_start3A_1093 : memref<128xi32, #tpu.memory_space<vmem>>) semaphore(%dma_start3A_1098 : memref<!tpu.dma_semaphore, #tpu.memory_space<semaphore_mem>>)
      %add3A_1099 = arith.constant 6 : i32
      %add3A_1100 = arith.addi %mul3A_568, %add3A_1099 : i32
      %add3A_1101 = arith.addi %mul3A_2, %add3A_1100 : i32
      %mul3A_1102 = arith.constant 128 : i32
      %mul3A_1103 = arith.muli %add3A_1101, %mul3A_1102 : i32
      %dma_wait3A_1104 = arith.constant 6 : i32
      %dma_wait3A_1105 = arith.constant 6 : i32
      %dma_wait3A_1106 = arith.constant 0 : i32
      %dma_wait3A_1107 = arith.constant 0 : i32
      %dma_wait3A_1108 = tpu.memref_slice %arg6[%dma_wait3A_1104, %dma_wait3A_1106, %dma_wait3A_1107] : memref<8x128x64xf32, #tpu.memory_space<vmem>> -> memref<1x128x64xf32, #tpu.memory_space<vmem>>
      %dma_wait3A_1109 = tpu.memref_squeeze %dma_wait3A_1108 : memref<1x128x64xf32, #tpu.memory_space<vmem>> -> memref<128x64xf32, #tpu.memory_space<vmem>>
      %dma_wait3A_1110 = arith.constant 0 : i32
      %dma_wait3A_1111 = tpu.memref_slice %arg4[%mul3A_1103, %dma_wait3A_1110] : memref<819200x64xf32, #tpu.memory_space<hbm>> -> memref<128x64xf32, #tpu.memory_space<hbm>>
      %dma_wait3A_1112 = tpu.memref_slice %arg8[%dma_wait3A_1105] : memref<8x!tpu.dma_semaphore, #tpu.memory_space<semaphore_mem>> -> memref<1x!tpu.dma_semaphore, #tpu.memory_space<semaphore_mem>>
      %dma_wait3A_1113 = tpu.memref_squeeze %dma_wait3A_1112 : memref<1x!tpu.dma_semaphore, #tpu.memory_space<semaphore_mem>> -> memref<!tpu.dma_semaphore, #tpu.memory_space<semaphore_mem>>
      %dma_wait3A_1114 = arith.constant 0 : i32
      %dma_wait3A_1115 = tpu.memref_slice %arg4[%mul3A_1103, %dma_wait3A_1114] : memref<819200x64xf32, #tpu.memory_space<hbm>> -> memref<128x64xf32, #tpu.memory_space<hbm>>
      %dma_wait3A_1116 = arith.constant 0 : i32
      %dma_wait3A_1117 = arith.constant 0 : i32
      %dma_wait3A_1118 = tpu.memref_slice %arg6[%dma_wait3A_1104, %dma_wait3A_1116, %dma_wait3A_1117] : memref<8x128x64xf32, #tpu.memory_space<vmem>> -> memref<1x128x64xf32, #tpu.memory_space<vmem>>
      %dma_wait3A_1119 = tpu.memref_squeeze %dma_wait3A_1118 : memref<1x128x64xf32, #tpu.memory_space<vmem>> -> memref<128x64xf32, #tpu.memory_space<vmem>>
      tpu.wait_dma2 semaphore(%dma_wait3A_1113 : memref<!tpu.dma_semaphore, #tpu.memory_space<semaphore_mem>>) src(%dma_wait3A_1119 : memref<128x64xf32, #tpu.memory_space<vmem>>) dst(%dma_wait3A_1115 : memref<128x64xf32, #tpu.memory_space<hbm>>)
      %add3A_1120 = arith.constant 8 : i32
      %add3A_1121 = arith.addi %mul3A_568, %add3A_1120 : i32
      %add3A_1122 = arith.constant 6 : i32
      %add3A_1123 = arith.addi %add3A_1121, %add3A_1122 : i32
      %dma_start3A_1124 = arith.constant 6 : i32
      %dma_start3A_1125 = arith.constant 6 : i32
      %dma_start3A_1126 = arith.constant 0 : i32
      %dma_start3A_1127 = arith.constant 0 : i32
      %dma_start3A_1128 = tpu.memref_slice %arg6[%dma_start3A_1124, %dma_start3A_1126, %dma_start3A_1127] : memref<8x128x64xf32, #tpu.memory_space<vmem>> -> memref<1x128x64xf32, #tpu.memory_space<vmem>>
      %dma_start3A_1129 = tpu.memref_squeeze %dma_start3A_1128 : memref<1x128x64xf32, #tpu.memory_space<vmem>> -> memref<128x64xf32, #tpu.memory_space<vmem>>
      %dma_start3A_1130 = arith.constant 0 : i32
      %dma_start3A_1131 = tpu.memref_slice %arg5[%add3A_1123, %dma_start3A_1130] : memref<200x128xi32, #tpu.memory_space<vmem>> -> memref<1x128xi32, #tpu.memory_space<vmem>>
      %dma_start3A_1132 = tpu.memref_squeeze %dma_start3A_1131 : memref<1x128xi32, #tpu.memory_space<vmem>> -> memref<128xi32, #tpu.memory_space<vmem>>
      %dma_start3A_1133 = arith.constant 0 : i32
      %dma_start3A_1134 = arith.constant 0 : i32
      %dma_start3A_1135 = tpu.memref_slice %arg3[%dma_start3A_1133, %dma_start3A_1134] : memref<1000000x64xf32, #tpu.memory_space<hbm>> -> memref<1000000x64xf32, #tpu.memory_space<hbm>>
      %dma_start3A_1136 = tpu.memref_slice %arg7[%dma_start3A_1125] : memref<8x!tpu.dma_semaphore, #tpu.memory_space<semaphore_mem>> -> memref<1x!tpu.dma_semaphore, #tpu.memory_space<semaphore_mem>>
      %dma_start3A_1137 = tpu.memref_squeeze %dma_start3A_1136 : memref<1x!tpu.dma_semaphore, #tpu.memory_space<semaphore_mem>> -> memref<!tpu.dma_semaphore, #tpu.memory_space<semaphore_mem>>
      tpu.enqueue_indirect_dma source(%dma_start3A_1135 : memref<1000000x64xf32, #tpu.memory_space<hbm>>) target(%dma_start3A_1129 : memref<128x64xf32, #tpu.memory_space<vmem>>) offsets(%dma_start3A_1132 : memref<128xi32, #tpu.memory_space<vmem>>) semaphore(%dma_start3A_1137 : memref<!tpu.dma_semaphore, #tpu.memory_space<semaphore_mem>>)
      %add3A_1138 = arith.constant 7 : i32
      %add3A_1139 = arith.addi %mul3A_568, %add3A_1138 : i32
      %add3A_1140 = arith.addi %mul3A_2, %add3A_1139 : i32
      %mul3A_1141 = arith.constant 128 : i32
      %mul3A_1142 = arith.muli %add3A_1140, %mul3A_1141 : i32
      %dma_wait3A_1143 = arith.constant 7 : i32
      %dma_wait3A_1144 = arith.constant 7 : i32
      %dma_wait3A_1145 = arith.constant 0 : i32
      %dma_wait3A_1146 = arith.constant 0 : i32
      %dma_wait3A_1147 = tpu.memref_slice %arg6[%dma_wait3A_1143, %dma_wait3A_1145, %dma_wait3A_1146] : memref<8x128x64xf32, #tpu.memory_space<vmem>> -> memref<1x128x64xf32, #tpu.memory_space<vmem>>
      %dma_wait3A_1148 = tpu.memref_squeeze %dma_wait3A_1147 : memref<1x128x64xf32, #tpu.memory_space<vmem>> -> memref<128x64xf32, #tpu.memory_space<vmem>>
      %dma_wait3A_1149 = arith.constant 0 : i32
      %dma_wait3A_1150 = tpu.memref_slice %arg4[%mul3A_1142, %dma_wait3A_1149] : memref<819200x64xf32, #tpu.memory_space<hbm>> -> memref<128x64xf32, #tpu.memory_space<hbm>>
      %dma_wait3A_1151 = tpu.memref_slice %arg8[%dma_wait3A_1144] : memref<8x!tpu.dma_semaphore, #tpu.memory_space<semaphore_mem>> -> memref<1x!tpu.dma_semaphore, #tpu.memory_space<semaphore_mem>>
      %dma_wait3A_1152 = tpu.memref_squeeze %dma_wait3A_1151 : memref<1x!tpu.dma_semaphore, #tpu.memory_space<semaphore_mem>> -> memref<!tpu.dma_semaphore, #tpu.memory_space<semaphore_mem>>
      %dma_wait3A_1153 = arith.constant 0 : i32
      %dma_wait3A_1154 = tpu.memref_slice %arg4[%mul3A_1142, %dma_wait3A_1153] : memref<819200x64xf32, #tpu.memory_space<hbm>> -> memref<128x64xf32, #tpu.memory_space<hbm>>
      %dma_wait3A_1155 = arith.constant 0 : i32
      %dma_wait3A_1156 = arith.constant 0 : i32
      %dma_wait3A_1157 = tpu.memref_slice %arg6[%dma_wait3A_1143, %dma_wait3A_1155, %dma_wait3A_1156] : memref<8x128x64xf32, #tpu.memory_space<vmem>> -> memref<1x128x64xf32, #tpu.memory_space<vmem>>
      %dma_wait3A_1158 = tpu.memref_squeeze %dma_wait3A_1157 : memref<1x128x64xf32, #tpu.memory_space<vmem>> -> memref<128x64xf32, #tpu.memory_space<vmem>>
      tpu.wait_dma2 semaphore(%dma_wait3A_1152 : memref<!tpu.dma_semaphore, #tpu.memory_space<semaphore_mem>>) src(%dma_wait3A_1158 : memref<128x64xf32, #tpu.memory_space<vmem>>) dst(%dma_wait3A_1154 : memref<128x64xf32, #tpu.memory_space<hbm>>)
      %add3A_1159 = arith.constant 8 : i32
      %add3A_1160 = arith.addi %mul3A_568, %add3A_1159 : i32
      %add3A_1161 = arith.constant 7 : i32
      %add3A_1162 = arith.addi %add3A_1160, %add3A_1161 : i32
      %dma_start3A_1163 = arith.constant 7 : i32
      %dma_start3A_1164 = arith.constant 7 : i32
      %dma_start3A_1165 = arith.constant 0 : i32
      %dma_start3A_1166 = arith.constant 0 : i32
      %dma_start3A_1167 = tpu.memref_slice %arg6[%dma_start3A_1163, %dma_start3A_1165, %dma_start3A_1166] : memref<8x128x64xf32, #tpu.memory_space<vmem>> -> memref<1x128x64xf32, #tpu.memory_space<vmem>>
      %dma_start3A_1168 = tpu.memref_squeeze %dma_start3A_1167 : memref<1x128x64xf32, #tpu.memory_space<vmem>> -> memref<128x64xf32, #tpu.memory_space<vmem>>
      %dma_start3A_1169 = arith.constant 0 : i32
      %dma_start3A_1170 = tpu.memref_slice %arg5[%add3A_1162, %dma_start3A_1169] : memref<200x128xi32, #tpu.memory_space<vmem>> -> memref<1x128xi32, #tpu.memory_space<vmem>>
      %dma_start3A_1171 = tpu.memref_squeeze %dma_start3A_1170 : memref<1x128xi32, #tpu.memory_space<vmem>> -> memref<128xi32, #tpu.memory_space<vmem>>
      %dma_start3A_1172 = arith.constant 0 : i32
      %dma_start3A_1173 = arith.constant 0 : i32
      %dma_start3A_1174 = tpu.memref_slice %arg3[%dma_start3A_1172, %dma_start3A_1173] : memref<1000000x64xf32, #tpu.memory_space<hbm>> -> memref<1000000x64xf32, #tpu.memory_space<hbm>>
      %dma_start3A_1175 = tpu.memref_slice %arg7[%dma_start3A_1164] : memref<8x!tpu.dma_semaphore, #tpu.memory_space<semaphore_mem>> -> memref<1x!tpu.dma_semaphore, #tpu.memory_space<semaphore_mem>>
      %dma_start3A_1176 = tpu.memref_squeeze %dma_start3A_1175 : memref<1x!tpu.dma_semaphore, #tpu.memory_space<semaphore_mem>> -> memref<!tpu.dma_semaphore, #tpu.memory_space<semaphore_mem>>
      tpu.enqueue_indirect_dma source(%dma_start3A_1174 : memref<1000000x64xf32, #tpu.memory_space<hbm>>) target(%dma_start3A_1168 : memref<128x64xf32, #tpu.memory_space<vmem>>) offsets(%dma_start3A_1171 : memref<128xi32, #tpu.memory_space<vmem>>) semaphore(%dma_start3A_1176 : memref<!tpu.dma_semaphore, #tpu.memory_space<semaphore_mem>>)
    }
    %scan3A_126 = arith.constant 24 : i32
    %dma_wait3A = arith.constant 192 : i32
    %dma_wait3A_127 = arith.constant 0 : i32
    %dma_wait3A_128 = arith.constant 0 : i32
    %dma_wait3A_129 = arith.constant 0 : i32
    %dma_wait3A_130 = arith.constant 0 : i32
    %dma_wait3A_131 = tpu.memref_slice %arg6[%dma_wait3A_127, %dma_wait3A_129, %dma_wait3A_130] : memref<8x128x64xf32, #tpu.memory_space<vmem>> -> memref<1x128x64xf32, #tpu.memory_space<vmem>>
    %dma_wait3A_132 = tpu.memref_squeeze %dma_wait3A_131 : memref<1x128x64xf32, #tpu.memory_space<vmem>> -> memref<128x64xf32, #tpu.memory_space<vmem>>
    %dma_wait3A_133 = arith.constant 0 : i32
    %dma_wait3A_134 = tpu.memref_slice %arg5[%dma_wait3A, %dma_wait3A_133] : memref<200x128xi32, #tpu.memory_space<vmem>> -> memref<1x128xi32, #tpu.memory_space<vmem>>
    %dma_wait3A_135 = tpu.memref_squeeze %dma_wait3A_134 : memref<1x128xi32, #tpu.memory_space<vmem>> -> memref<128xi32, #tpu.memory_space<vmem>>
    %dma_wait3A_136 = arith.constant 0 : i32
    %dma_wait3A_137 = arith.constant 0 : i32
    %dma_wait3A_138 = tpu.memref_slice %arg3[%dma_wait3A_136, %dma_wait3A_137] : memref<1000000x64xf32, #tpu.memory_space<hbm>> -> memref<1000000x64xf32, #tpu.memory_space<hbm>>
    %dma_wait3A_139 = tpu.memref_slice %arg7[%dma_wait3A_128] : memref<8x!tpu.dma_semaphore, #tpu.memory_space<semaphore_mem>> -> memref<1x!tpu.dma_semaphore, #tpu.memory_space<semaphore_mem>>
    %dma_wait3A_140 = tpu.memref_squeeze %dma_wait3A_139 : memref<1x!tpu.dma_semaphore, #tpu.memory_space<semaphore_mem>> -> memref<!tpu.dma_semaphore, #tpu.memory_space<semaphore_mem>>
    tpu.wait_indirect_dma semaphore(%dma_wait3A_140 : memref<!tpu.dma_semaphore, #tpu.memory_space<semaphore_mem>>) src(%dma_wait3A_138 : memref<1000000x64xf32, #tpu.memory_space<hbm>>) dst(%dma_wait3A_132 : memref<128x64xf32, #tpu.memory_space<vmem>>)
    %add3A_141 = arith.constant 192 : i32
    %add3A_142 = arith.addi %mul3A_2, %add3A_141 : i32
    %mul3A_143 = arith.constant 128 : i32
    %mul3A_144 = arith.muli %add3A_142, %mul3A_143 : i32
    %dma_start3A_145 = arith.constant 0 : i32
    %dma_start3A_146 = arith.constant 0 : i32
    %dma_start3A_147 = arith.constant 0 : i32
    %dma_start3A_148 = arith.constant 0 : i32
    %dma_start3A_149 = tpu.memref_slice %arg6[%dma_start3A_145, %dma_start3A_147, %dma_start3A_148] : memref<8x128x64xf32, #tpu.memory_space<vmem>> -> memref<1x128x64xf32, #tpu.memory_space<vmem>>
    %dma_start3A_150 = tpu.memref_squeeze %dma_start3A_149 : memref<1x128x64xf32, #tpu.memory_space<vmem>> -> memref<128x64xf32, #tpu.memory_space<vmem>>
    %dma_start3A_151 = arith.constant 0 : i32
    %dma_start3A_152 = tpu.memref_slice %arg4[%mul3A_144, %dma_start3A_151] : memref<819200x64xf32, #tpu.memory_space<hbm>> -> memref<128x64xf32, #tpu.memory_space<hbm>>
    %dma_start3A_153 = tpu.memref_slice %arg8[%dma_start3A_146] : memref<8x!tpu.dma_semaphore, #tpu.memory_space<semaphore_mem>> -> memref<1x!tpu.dma_semaphore, #tpu.memory_space<semaphore_mem>>
    %dma_start3A_154 = tpu.memref_squeeze %dma_start3A_153 : memref<1x!tpu.dma_semaphore, #tpu.memory_space<semaphore_mem>> -> memref<!tpu.dma_semaphore, #tpu.memory_space<semaphore_mem>>
    %dma_start3A_155 = arith.constant 0 : i32
    %dma_start3A_156 = tpu.memref_slice %arg4[%mul3A_144, %dma_start3A_155] : memref<819200x64xf32, #tpu.memory_space<hbm>> -> memref<128x64xf32, #tpu.memory_space<hbm>>
    %dma_start3A_157 = arith.constant 0 : i32
    %dma_start3A_158 = arith.constant 0 : i32
    %dma_start3A_159 = tpu.memref_slice %arg6[%dma_start3A_145, %dma_start3A_157, %dma_start3A_158] : memref<8x128x64xf32, #tpu.memory_space<vmem>> -> memref<1x128x64xf32, #tpu.memory_space<vmem>>
    %dma_start3A_160 = tpu.memref_squeeze %dma_start3A_159 : memref<1x128x64xf32, #tpu.memory_space<vmem>> -> memref<128x64xf32, #tpu.memory_space<vmem>>
    tpu.enqueue_dma source(%dma_start3A_160 : memref<128x64xf32, #tpu.memory_space<vmem>>) target(%dma_start3A_156 : memref<128x64xf32, #tpu.memory_space<hbm>>) target_semaphore(%dma_start3A_154 : memref<!tpu.dma_semaphore, #tpu.memory_space<semaphore_mem>>)
    %dma_wait3A_161 = arith.constant 193 : i32
    %dma_wait3A_162 = arith.constant 1 : i32
    %dma_wait3A_163 = arith.constant 1 : i32
    %dma_wait3A_164 = arith.constant 0 : i32
    %dma_wait3A_165 = arith.constant 0 : i32
    %dma_wait3A_166 = tpu.memref_slice %arg6[%dma_wait3A_162, %dma_wait3A_164, %dma_wait3A_165] : memref<8x128x64xf32, #tpu.memory_space<vmem>> -> memref<1x128x64xf32, #tpu.memory_space<vmem>>
    %dma_wait3A_167 = tpu.memref_squeeze %dma_wait3A_166 : memref<1x128x64xf32, #tpu.memory_space<vmem>> -> memref<128x64xf32, #tpu.memory_space<vmem>>
    %dma_wait3A_168 = arith.constant 0 : i32
    %dma_wait3A_169 = tpu.memref_slice %arg5[%dma_wait3A_161, %dma_wait3A_168] : memref<200x128xi32, #tpu.memory_space<vmem>> -> memref<1x128xi32, #tpu.memory_space<vmem>>
    %dma_wait3A_170 = tpu.memref_squeeze %dma_wait3A_169 : memref<1x128xi32, #tpu.memory_space<vmem>> -> memref<128xi32, #tpu.memory_space<vmem>>
    %dma_wait3A_171 = arith.constant 0 : i32
    %dma_wait3A_172 = arith.constant 0 : i32
    %dma_wait3A_173 = tpu.memref_slice %arg3[%dma_wait3A_171, %dma_wait3A_172] : memref<1000000x64xf32, #tpu.memory_space<hbm>> -> memref<1000000x64xf32, #tpu.memory_space<hbm>>
    %dma_wait3A_174 = tpu.memref_slice %arg7[%dma_wait3A_163] : memref<8x!tpu.dma_semaphore, #tpu.memory_space<semaphore_mem>> -> memref<1x!tpu.dma_semaphore, #tpu.memory_space<semaphore_mem>>
    %dma_wait3A_175 = tpu.memref_squeeze %dma_wait3A_174 : memref<1x!tpu.dma_semaphore, #tpu.memory_space<semaphore_mem>> -> memref<!tpu.dma_semaphore, #tpu.memory_space<semaphore_mem>>
    tpu.wait_indirect_dma semaphore(%dma_wait3A_175 : memref<!tpu.dma_semaphore, #tpu.memory_space<semaphore_mem>>) src(%dma_wait3A_173 : memref<1000000x64xf32, #tpu.memory_space<hbm>>) dst(%dma_wait3A_167 : memref<128x64xf32, #tpu.memory_space<vmem>>)
    %add3A_176 = arith.constant 193 : i32
    %add3A_177 = arith.addi %mul3A_2, %add3A_176 : i32
    %mul3A_178 = arith.constant 128 : i32
    %mul3A_179 = arith.muli %add3A_177, %mul3A_178 : i32
    %dma_start3A_180 = arith.constant 1 : i32
    %dma_start3A_181 = arith.constant 1 : i32
    %dma_start3A_182 = arith.constant 0 : i32
    %dma_start3A_183 = arith.constant 0 : i32
    %dma_start3A_184 = tpu.memref_slice %arg6[%dma_start3A_180, %dma_start3A_182, %dma_start3A_183] : memref<8x128x64xf32, #tpu.memory_space<vmem>> -> memref<1x128x64xf32, #tpu.memory_space<vmem>>
    %dma_start3A_185 = tpu.memref_squeeze %dma_start3A_184 : memref<1x128x64xf32, #tpu.memory_space<vmem>> -> memref<128x64xf32, #tpu.memory_space<vmem>>
    %dma_start3A_186 = arith.constant 0 : i32
    %dma_start3A_187 = tpu.memref_slice %arg4[%mul3A_179, %dma_start3A_186] : memref<819200x64xf32, #tpu.memory_space<hbm>> -> memref<128x64xf32, #tpu.memory_space<hbm>>
    %dma_start3A_188 = tpu.memref_slice %arg8[%dma_start3A_181] : memref<8x!tpu.dma_semaphore, #tpu.memory_space<semaphore_mem>> -> memref<1x!tpu.dma_semaphore, #tpu.memory_space<semaphore_mem>>
    %dma_start3A_189 = tpu.memref_squeeze %dma_start3A_188 : memref<1x!tpu.dma_semaphore, #tpu.memory_space<semaphore_mem>> -> memref<!tpu.dma_semaphore, #tpu.memory_space<semaphore_mem>>
    %dma_start3A_190 = arith.constant 0 : i32
    %dma_start3A_191 = tpu.memref_slice %arg4[%mul3A_179, %dma_start3A_190] : memref<819200x64xf32, #tpu.memory_space<hbm>> -> memref<128x64xf32, #tpu.memory_space<hbm>>
    %dma_start3A_192 = arith.constant 0 : i32
    %dma_start3A_193 = arith.constant 0 : i32
    %dma_start3A_194 = tpu.memref_slice %arg6[%dma_start3A_180, %dma_start3A_192, %dma_start3A_193] : memref<8x128x64xf32, #tpu.memory_space<vmem>> -> memref<1x128x64xf32, #tpu.memory_space<vmem>>
    %dma_start3A_195 = tpu.memref_squeeze %dma_start3A_194 : memref<1x128x64xf32, #tpu.memory_space<vmem>> -> memref<128x64xf32, #tpu.memory_space<vmem>>
    tpu.enqueue_dma source(%dma_start3A_195 : memref<128x64xf32, #tpu.memory_space<vmem>>) target(%dma_start3A_191 : memref<128x64xf32, #tpu.memory_space<hbm>>) target_semaphore(%dma_start3A_189 : memref<!tpu.dma_semaphore, #tpu.memory_space<semaphore_mem>>)
    %dma_wait3A_196 = arith.constant 194 : i32
    %dma_wait3A_197 = arith.constant 2 : i32
    %dma_wait3A_198 = arith.constant 2 : i32
    %dma_wait3A_199 = arith.constant 0 : i32
    %dma_wait3A_200 = arith.constant 0 : i32
    %dma_wait3A_201 = tpu.memref_slice %arg6[%dma_wait3A_197, %dma_wait3A_199, %dma_wait3A_200] : memref<8x128x64xf32, #tpu.memory_space<vmem>> -> memref<1x128x64xf32, #tpu.memory_space<vmem>>
    %dma_wait3A_202 = tpu.memref_squeeze %dma_wait3A_201 : memref<1x128x64xf32, #tpu.memory_space<vmem>> -> memref<128x64xf32, #tpu.memory_space<vmem>>
    %dma_wait3A_203 = arith.constant 0 : i32
    %dma_wait3A_204 = tpu.memref_slice %arg5[%dma_wait3A_196, %dma_wait3A_203] : memref<200x128xi32, #tpu.memory_space<vmem>> -> memref<1x128xi32, #tpu.memory_space<vmem>>
    %dma_wait3A_205 = tpu.memref_squeeze %dma_wait3A_204 : memref<1x128xi32, #tpu.memory_space<vmem>> -> memref<128xi32, #tpu.memory_space<vmem>>
    %dma_wait3A_206 = arith.constant 0 : i32
    %dma_wait3A_207 = arith.constant 0 : i32
    %dma_wait3A_208 = tpu.memref_slice %arg3[%dma_wait3A_206, %dma_wait3A_207] : memref<1000000x64xf32, #tpu.memory_space<hbm>> -> memref<1000000x64xf32, #tpu.memory_space<hbm>>
    %dma_wait3A_209 = tpu.memref_slice %arg7[%dma_wait3A_198] : memref<8x!tpu.dma_semaphore, #tpu.memory_space<semaphore_mem>> -> memref<1x!tpu.dma_semaphore, #tpu.memory_space<semaphore_mem>>
    %dma_wait3A_210 = tpu.memref_squeeze %dma_wait3A_209 : memref<1x!tpu.dma_semaphore, #tpu.memory_space<semaphore_mem>> -> memref<!tpu.dma_semaphore, #tpu.memory_space<semaphore_mem>>
    tpu.wait_indirect_dma semaphore(%dma_wait3A_210 : memref<!tpu.dma_semaphore, #tpu.memory_space<semaphore_mem>>) src(%dma_wait3A_208 : memref<1000000x64xf32, #tpu.memory_space<hbm>>) dst(%dma_wait3A_202 : memref<128x64xf32, #tpu.memory_space<vmem>>)
    %add3A_211 = arith.constant 194 : i32
    %add3A_212 = arith.addi %mul3A_2, %add3A_211 : i32
    %mul3A_213 = arith.constant 128 : i32
    %mul3A_214 = arith.muli %add3A_212, %mul3A_213 : i32
    %dma_start3A_215 = arith.constant 2 : i32
    %dma_start3A_216 = arith.constant 2 : i32
    %dma_start3A_217 = arith.constant 0 : i32
    %dma_start3A_218 = arith.constant 0 : i32
    %dma_start3A_219 = tpu.memref_slice %arg6[%dma_start3A_215, %dma_start3A_217, %dma_start3A_218] : memref<8x128x64xf32, #tpu.memory_space<vmem>> -> memref<1x128x64xf32, #tpu.memory_space<vmem>>
    %dma_start3A_220 = tpu.memref_squeeze %dma_start3A_219 : memref<1x128x64xf32, #tpu.memory_space<vmem>> -> memref<128x64xf32, #tpu.memory_space<vmem>>
    %dma_start3A_221 = arith.constant 0 : i32
    %dma_start3A_222 = tpu.memref_slice %arg4[%mul3A_214, %dma_start3A_221] : memref<819200x64xf32, #tpu.memory_space<hbm>> -> memref<128x64xf32, #tpu.memory_space<hbm>>
    %dma_start3A_223 = tpu.memref_slice %arg8[%dma_start3A_216] : memref<8x!tpu.dma_semaphore, #tpu.memory_space<semaphore_mem>> -> memref<1x!tpu.dma_semaphore, #tpu.memory_space<semaphore_mem>>
    %dma_start3A_224 = tpu.memref_squeeze %dma_start3A_223 : memref<1x!tpu.dma_semaphore, #tpu.memory_space<semaphore_mem>> -> memref<!tpu.dma_semaphore, #tpu.memory_space<semaphore_mem>>
    %dma_start3A_225 = arith.constant 0 : i32
    %dma_start3A_226 = tpu.memref_slice %arg4[%mul3A_214, %dma_start3A_225] : memref<819200x64xf32, #tpu.memory_space<hbm>> -> memref<128x64xf32, #tpu.memory_space<hbm>>
    %dma_start3A_227 = arith.constant 0 : i32
    %dma_start3A_228 = arith.constant 0 : i32
    %dma_start3A_229 = tpu.memref_slice %arg6[%dma_start3A_215, %dma_start3A_227, %dma_start3A_228] : memref<8x128x64xf32, #tpu.memory_space<vmem>> -> memref<1x128x64xf32, #tpu.memory_space<vmem>>
    %dma_start3A_230 = tpu.memref_squeeze %dma_start3A_229 : memref<1x128x64xf32, #tpu.memory_space<vmem>> -> memref<128x64xf32, #tpu.memory_space<vmem>>
    tpu.enqueue_dma source(%dma_start3A_230 : memref<128x64xf32, #tpu.memory_space<vmem>>) target(%dma_start3A_226 : memref<128x64xf32, #tpu.memory_space<hbm>>) target_semaphore(%dma_start3A_224 : memref<!tpu.dma_semaphore, #tpu.memory_space<semaphore_mem>>)
    %dma_wait3A_231 = arith.constant 195 : i32
    %dma_wait3A_232 = arith.constant 3 : i32
    %dma_wait3A_233 = arith.constant 3 : i32
    %dma_wait3A_234 = arith.constant 0 : i32
    %dma_wait3A_235 = arith.constant 0 : i32
    %dma_wait3A_236 = tpu.memref_slice %arg6[%dma_wait3A_232, %dma_wait3A_234, %dma_wait3A_235] : memref<8x128x64xf32, #tpu.memory_space<vmem>> -> memref<1x128x64xf32, #tpu.memory_space<vmem>>
    %dma_wait3A_237 = tpu.memref_squeeze %dma_wait3A_236 : memref<1x128x64xf32, #tpu.memory_space<vmem>> -> memref<128x64xf32, #tpu.memory_space<vmem>>
    %dma_wait3A_238 = arith.constant 0 : i32
    %dma_wait3A_239 = tpu.memref_slice %arg5[%dma_wait3A_231, %dma_wait3A_238] : memref<200x128xi32, #tpu.memory_space<vmem>> -> memref<1x128xi32, #tpu.memory_space<vmem>>
    %dma_wait3A_240 = tpu.memref_squeeze %dma_wait3A_239 : memref<1x128xi32, #tpu.memory_space<vmem>> -> memref<128xi32, #tpu.memory_space<vmem>>
    %dma_wait3A_241 = arith.constant 0 : i32
    %dma_wait3A_242 = arith.constant 0 : i32
    %dma_wait3A_243 = tpu.memref_slice %arg3[%dma_wait3A_241, %dma_wait3A_242] : memref<1000000x64xf32, #tpu.memory_space<hbm>> -> memref<1000000x64xf32, #tpu.memory_space<hbm>>
    %dma_wait3A_244 = tpu.memref_slice %arg7[%dma_wait3A_233] : memref<8x!tpu.dma_semaphore, #tpu.memory_space<semaphore_mem>> -> memref<1x!tpu.dma_semaphore, #tpu.memory_space<semaphore_mem>>
    %dma_wait3A_245 = tpu.memref_squeeze %dma_wait3A_244 : memref<1x!tpu.dma_semaphore, #tpu.memory_space<semaphore_mem>> -> memref<!tpu.dma_semaphore, #tpu.memory_space<semaphore_mem>>
    tpu.wait_indirect_dma semaphore(%dma_wait3A_245 : memref<!tpu.dma_semaphore, #tpu.memory_space<semaphore_mem>>) src(%dma_wait3A_243 : memref<1000000x64xf32, #tpu.memory_space<hbm>>) dst(%dma_wait3A_237 : memref<128x64xf32, #tpu.memory_space<vmem>>)
    %add3A_246 = arith.constant 195 : i32
    %add3A_247 = arith.addi %mul3A_2, %add3A_246 : i32
    %mul3A_248 = arith.constant 128 : i32
    %mul3A_249 = arith.muli %add3A_247, %mul3A_248 : i32
    %dma_start3A_250 = arith.constant 3 : i32
    %dma_start3A_251 = arith.constant 3 : i32
    %dma_start3A_252 = arith.constant 0 : i32
    %dma_start3A_253 = arith.constant 0 : i32
    %dma_start3A_254 = tpu.memref_slice %arg6[%dma_start3A_250, %dma_start3A_252, %dma_start3A_253] : memref<8x128x64xf32, #tpu.memory_space<vmem>> -> memref<1x128x64xf32, #tpu.memory_space<vmem>>
    %dma_start3A_255 = tpu.memref_squeeze %dma_start3A_254 : memref<1x128x64xf32, #tpu.memory_space<vmem>> -> memref<128x64xf32, #tpu.memory_space<vmem>>
    %dma_start3A_256 = arith.constant 0 : i32
    %dma_start3A_257 = tpu.memref_slice %arg4[%mul3A_249, %dma_start3A_256] : memref<819200x64xf32, #tpu.memory_space<hbm>> -> memref<128x64xf32, #tpu.memory_space<hbm>>
    %dma_start3A_258 = tpu.memref_slice %arg8[%dma_start3A_251] : memref<8x!tpu.dma_semaphore, #tpu.memory_space<semaphore_mem>> -> memref<1x!tpu.dma_semaphore, #tpu.memory_space<semaphore_mem>>
    %dma_start3A_259 = tpu.memref_squeeze %dma_start3A_258 : memref<1x!tpu.dma_semaphore, #tpu.memory_space<semaphore_mem>> -> memref<!tpu.dma_semaphore, #tpu.memory_space<semaphore_mem>>
    %dma_start3A_260 = arith.constant 0 : i32
    %dma_start3A_261 = tpu.memref_slice %arg4[%mul3A_249, %dma_start3A_260] : memref<819200x64xf32, #tpu.memory_space<hbm>> -> memref<128x64xf32, #tpu.memory_space<hbm>>
    %dma_start3A_262 = arith.constant 0 : i32
    %dma_start3A_263 = arith.constant 0 : i32
    %dma_start3A_264 = tpu.memref_slice %arg6[%dma_start3A_250, %dma_start3A_262, %dma_start3A_263] : memref<8x128x64xf32, #tpu.memory_space<vmem>> -> memref<1x128x64xf32, #tpu.memory_space<vmem>>
    %dma_start3A_265 = tpu.memref_squeeze %dma_start3A_264 : memref<1x128x64xf32, #tpu.memory_space<vmem>> -> memref<128x64xf32, #tpu.memory_space<vmem>>
    tpu.enqueue_dma source(%dma_start3A_265 : memref<128x64xf32, #tpu.memory_space<vmem>>) target(%dma_start3A_261 : memref<128x64xf32, #tpu.memory_space<hbm>>) target_semaphore(%dma_start3A_259 : memref<!tpu.dma_semaphore, #tpu.memory_space<semaphore_mem>>)
    %dma_wait3A_266 = arith.constant 196 : i32
    %dma_wait3A_267 = arith.constant 4 : i32
    %dma_wait3A_268 = arith.constant 4 : i32
    %dma_wait3A_269 = arith.constant 0 : i32
    %dma_wait3A_270 = arith.constant 0 : i32
    %dma_wait3A_271 = tpu.memref_slice %arg6[%dma_wait3A_267, %dma_wait3A_269, %dma_wait3A_270] : memref<8x128x64xf32, #tpu.memory_space<vmem>> -> memref<1x128x64xf32, #tpu.memory_space<vmem>>
    %dma_wait3A_272 = tpu.memref_squeeze %dma_wait3A_271 : memref<1x128x64xf32, #tpu.memory_space<vmem>> -> memref<128x64xf32, #tpu.memory_space<vmem>>
    %dma_wait3A_273 = arith.constant 0 : i32
    %dma_wait3A_274 = tpu.memref_slice %arg5[%dma_wait3A_266, %dma_wait3A_273] : memref<200x128xi32, #tpu.memory_space<vmem>> -> memref<1x128xi32, #tpu.memory_space<vmem>>
    %dma_wait3A_275 = tpu.memref_squeeze %dma_wait3A_274 : memref<1x128xi32, #tpu.memory_space<vmem>> -> memref<128xi32, #tpu.memory_space<vmem>>
    %dma_wait3A_276 = arith.constant 0 : i32
    %dma_wait3A_277 = arith.constant 0 : i32
    %dma_wait3A_278 = tpu.memref_slice %arg3[%dma_wait3A_276, %dma_wait3A_277] : memref<1000000x64xf32, #tpu.memory_space<hbm>> -> memref<1000000x64xf32, #tpu.memory_space<hbm>>
    %dma_wait3A_279 = tpu.memref_slice %arg7[%dma_wait3A_268] : memref<8x!tpu.dma_semaphore, #tpu.memory_space<semaphore_mem>> -> memref<1x!tpu.dma_semaphore, #tpu.memory_space<semaphore_mem>>
    %dma_wait3A_280 = tpu.memref_squeeze %dma_wait3A_279 : memref<1x!tpu.dma_semaphore, #tpu.memory_space<semaphore_mem>> -> memref<!tpu.dma_semaphore, #tpu.memory_space<semaphore_mem>>
    tpu.wait_indirect_dma semaphore(%dma_wait3A_280 : memref<!tpu.dma_semaphore, #tpu.memory_space<semaphore_mem>>) src(%dma_wait3A_278 : memref<1000000x64xf32, #tpu.memory_space<hbm>>) dst(%dma_wait3A_272 : memref<128x64xf32, #tpu.memory_space<vmem>>)
    %add3A_281 = arith.constant 196 : i32
    %add3A_282 = arith.addi %mul3A_2, %add3A_281 : i32
    %mul3A_283 = arith.constant 128 : i32
    %mul3A_284 = arith.muli %add3A_282, %mul3A_283 : i32
    %dma_start3A_285 = arith.constant 4 : i32
    %dma_start3A_286 = arith.constant 4 : i32
    %dma_start3A_287 = arith.constant 0 : i32
    %dma_start3A_288 = arith.constant 0 : i32
    %dma_start3A_289 = tpu.memref_slice %arg6[%dma_start3A_285, %dma_start3A_287, %dma_start3A_288] : memref<8x128x64xf32, #tpu.memory_space<vmem>> -> memref<1x128x64xf32, #tpu.memory_space<vmem>>
    %dma_start3A_290 = tpu.memref_squeeze %dma_start3A_289 : memref<1x128x64xf32, #tpu.memory_space<vmem>> -> memref<128x64xf32, #tpu.memory_space<vmem>>
    %dma_start3A_291 = arith.constant 0 : i32
    %dma_start3A_292 = tpu.memref_slice %arg4[%mul3A_284, %dma_start3A_291] : memref<819200x64xf32, #tpu.memory_space<hbm>> -> memref<128x64xf32, #tpu.memory_space<hbm>>
    %dma_start3A_293 = tpu.memref_slice %arg8[%dma_start3A_286] : memref<8x!tpu.dma_semaphore, #tpu.memory_space<semaphore_mem>> -> memref<1x!tpu.dma_semaphore, #tpu.memory_space<semaphore_mem>>
    %dma_start3A_294 = tpu.memref_squeeze %dma_start3A_293 : memref<1x!tpu.dma_semaphore, #tpu.memory_space<semaphore_mem>> -> memref<!tpu.dma_semaphore, #tpu.memory_space<semaphore_mem>>
    %dma_start3A_295 = arith.constant 0 : i32
    %dma_start3A_296 = tpu.memref_slice %arg4[%mul3A_284, %dma_start3A_295] : memref<819200x64xf32, #tpu.memory_space<hbm>> -> memref<128x64xf32, #tpu.memory_space<hbm>>
    %dma_start3A_297 = arith.constant 0 : i32
    %dma_start3A_298 = arith.constant 0 : i32
    %dma_start3A_299 = tpu.memref_slice %arg6[%dma_start3A_285, %dma_start3A_297, %dma_start3A_298] : memref<8x128x64xf32, #tpu.memory_space<vmem>> -> memref<1x128x64xf32, #tpu.memory_space<vmem>>
    %dma_start3A_300 = tpu.memref_squeeze %dma_start3A_299 : memref<1x128x64xf32, #tpu.memory_space<vmem>> -> memref<128x64xf32, #tpu.memory_space<vmem>>
    tpu.enqueue_dma source(%dma_start3A_300 : memref<128x64xf32, #tpu.memory_space<vmem>>) target(%dma_start3A_296 : memref<128x64xf32, #tpu.memory_space<hbm>>) target_semaphore(%dma_start3A_294 : memref<!tpu.dma_semaphore, #tpu.memory_space<semaphore_mem>>)
    %dma_wait3A_301 = arith.constant 197 : i32
    %dma_wait3A_302 = arith.constant 5 : i32
    %dma_wait3A_303 = arith.constant 5 : i32
    %dma_wait3A_304 = arith.constant 0 : i32
    %dma_wait3A_305 = arith.constant 0 : i32
    %dma_wait3A_306 = tpu.memref_slice %arg6[%dma_wait3A_302, %dma_wait3A_304, %dma_wait3A_305] : memref<8x128x64xf32, #tpu.memory_space<vmem>> -> memref<1x128x64xf32, #tpu.memory_space<vmem>>
    %dma_wait3A_307 = tpu.memref_squeeze %dma_wait3A_306 : memref<1x128x64xf32, #tpu.memory_space<vmem>> -> memref<128x64xf32, #tpu.memory_space<vmem>>
    %dma_wait3A_308 = arith.constant 0 : i32
    %dma_wait3A_309 = tpu.memref_slice %arg5[%dma_wait3A_301, %dma_wait3A_308] : memref<200x128xi32, #tpu.memory_space<vmem>> -> memref<1x128xi32, #tpu.memory_space<vmem>>
    %dma_wait3A_310 = tpu.memref_squeeze %dma_wait3A_309 : memref<1x128xi32, #tpu.memory_space<vmem>> -> memref<128xi32, #tpu.memory_space<vmem>>
    %dma_wait3A_311 = arith.constant 0 : i32
    %dma_wait3A_312 = arith.constant 0 : i32
    %dma_wait3A_313 = tpu.memref_slice %arg3[%dma_wait3A_311, %dma_wait3A_312] : memref<1000000x64xf32, #tpu.memory_space<hbm>> -> memref<1000000x64xf32, #tpu.memory_space<hbm>>
    %dma_wait3A_314 = tpu.memref_slice %arg7[%dma_wait3A_303] : memref<8x!tpu.dma_semaphore, #tpu.memory_space<semaphore_mem>> -> memref<1x!tpu.dma_semaphore, #tpu.memory_space<semaphore_mem>>
    %dma_wait3A_315 = tpu.memref_squeeze %dma_wait3A_314 : memref<1x!tpu.dma_semaphore, #tpu.memory_space<semaphore_mem>> -> memref<!tpu.dma_semaphore, #tpu.memory_space<semaphore_mem>>
    tpu.wait_indirect_dma semaphore(%dma_wait3A_315 : memref<!tpu.dma_semaphore, #tpu.memory_space<semaphore_mem>>) src(%dma_wait3A_313 : memref<1000000x64xf32, #tpu.memory_space<hbm>>) dst(%dma_wait3A_307 : memref<128x64xf32, #tpu.memory_space<vmem>>)
    %add3A_316 = arith.constant 197 : i32
    %add3A_317 = arith.addi %mul3A_2, %add3A_316 : i32
    %mul3A_318 = arith.constant 128 : i32
    %mul3A_319 = arith.muli %add3A_317, %mul3A_318 : i32
    %dma_start3A_320 = arith.constant 5 : i32
    %dma_start3A_321 = arith.constant 5 : i32
    %dma_start3A_322 = arith.constant 0 : i32
    %dma_start3A_323 = arith.constant 0 : i32
    %dma_start3A_324 = tpu.memref_slice %arg6[%dma_start3A_320, %dma_start3A_322, %dma_start3A_323] : memref<8x128x64xf32, #tpu.memory_space<vmem>> -> memref<1x128x64xf32, #tpu.memory_space<vmem>>
    %dma_start3A_325 = tpu.memref_squeeze %dma_start3A_324 : memref<1x128x64xf32, #tpu.memory_space<vmem>> -> memref<128x64xf32, #tpu.memory_space<vmem>>
    %dma_start3A_326 = arith.constant 0 : i32
    %dma_start3A_327 = tpu.memref_slice %arg4[%mul3A_319, %dma_start3A_326] : memref<819200x64xf32, #tpu.memory_space<hbm>> -> memref<128x64xf32, #tpu.memory_space<hbm>>
    %dma_start3A_328 = tpu.memref_slice %arg8[%dma_start3A_321] : memref<8x!tpu.dma_semaphore, #tpu.memory_space<semaphore_mem>> -> memref<1x!tpu.dma_semaphore, #tpu.memory_space<semaphore_mem>>
    %dma_start3A_329 = tpu.memref_squeeze %dma_start3A_328 : memref<1x!tpu.dma_semaphore, #tpu.memory_space<semaphore_mem>> -> memref<!tpu.dma_semaphore, #tpu.memory_space<semaphore_mem>>
    %dma_start3A_330 = arith.constant 0 : i32
    %dma_start3A_331 = tpu.memref_slice %arg4[%mul3A_319, %dma_start3A_330] : memref<819200x64xf32, #tpu.memory_space<hbm>> -> memref<128x64xf32, #tpu.memory_space<hbm>>
    %dma_start3A_332 = arith.constant 0 : i32
    %dma_start3A_333 = arith.constant 0 : i32
    %dma_start3A_334 = tpu.memref_slice %arg6[%dma_start3A_320, %dma_start3A_332, %dma_start3A_333] : memref<8x128x64xf32, #tpu.memory_space<vmem>> -> memref<1x128x64xf32, #tpu.memory_space<vmem>>
    %dma_start3A_335 = tpu.memref_squeeze %dma_start3A_334 : memref<1x128x64xf32, #tpu.memory_space<vmem>> -> memref<128x64xf32, #tpu.memory_space<vmem>>
    tpu.enqueue_dma source(%dma_start3A_335 : memref<128x64xf32, #tpu.memory_space<vmem>>) target(%dma_start3A_331 : memref<128x64xf32, #tpu.memory_space<hbm>>) target_semaphore(%dma_start3A_329 : memref<!tpu.dma_semaphore, #tpu.memory_space<semaphore_mem>>)
    %dma_wait3A_336 = arith.constant 198 : i32
    %dma_wait3A_337 = arith.constant 6 : i32
    %dma_wait3A_338 = arith.constant 6 : i32
    %dma_wait3A_339 = arith.constant 0 : i32
    %dma_wait3A_340 = arith.constant 0 : i32
    %dma_wait3A_341 = tpu.memref_slice %arg6[%dma_wait3A_337, %dma_wait3A_339, %dma_wait3A_340] : memref<8x128x64xf32, #tpu.memory_space<vmem>> -> memref<1x128x64xf32, #tpu.memory_space<vmem>>
    %dma_wait3A_342 = tpu.memref_squeeze %dma_wait3A_341 : memref<1x128x64xf32, #tpu.memory_space<vmem>> -> memref<128x64xf32, #tpu.memory_space<vmem>>
    %dma_wait3A_343 = arith.constant 0 : i32
    %dma_wait3A_344 = tpu.memref_slice %arg5[%dma_wait3A_336, %dma_wait3A_343] : memref<200x128xi32, #tpu.memory_space<vmem>> -> memref<1x128xi32, #tpu.memory_space<vmem>>
    %dma_wait3A_345 = tpu.memref_squeeze %dma_wait3A_344 : memref<1x128xi32, #tpu.memory_space<vmem>> -> memref<128xi32, #tpu.memory_space<vmem>>
    %dma_wait3A_346 = arith.constant 0 : i32
    %dma_wait3A_347 = arith.constant 0 : i32
    %dma_wait3A_348 = tpu.memref_slice %arg3[%dma_wait3A_346, %dma_wait3A_347] : memref<1000000x64xf32, #tpu.memory_space<hbm>> -> memref<1000000x64xf32, #tpu.memory_space<hbm>>
    %dma_wait3A_349 = tpu.memref_slice %arg7[%dma_wait3A_338] : memref<8x!tpu.dma_semaphore, #tpu.memory_space<semaphore_mem>> -> memref<1x!tpu.dma_semaphore, #tpu.memory_space<semaphore_mem>>
    %dma_wait3A_350 = tpu.memref_squeeze %dma_wait3A_349 : memref<1x!tpu.dma_semaphore, #tpu.memory_space<semaphore_mem>> -> memref<!tpu.dma_semaphore, #tpu.memory_space<semaphore_mem>>
    tpu.wait_indirect_dma semaphore(%dma_wait3A_350 : memref<!tpu.dma_semaphore, #tpu.memory_space<semaphore_mem>>) src(%dma_wait3A_348 : memref<1000000x64xf32, #tpu.memory_space<hbm>>) dst(%dma_wait3A_342 : memref<128x64xf32, #tpu.memory_space<vmem>>)
    %add3A_351 = arith.constant 198 : i32
    %add3A_352 = arith.addi %mul3A_2, %add3A_351 : i32
    %mul3A_353 = arith.constant 128 : i32
    %mul3A_354 = arith.muli %add3A_352, %mul3A_353 : i32
    %dma_start3A_355 = arith.constant 6 : i32
    %dma_start3A_356 = arith.constant 6 : i32
    %dma_start3A_357 = arith.constant 0 : i32
    %dma_start3A_358 = arith.constant 0 : i32
    %dma_start3A_359 = tpu.memref_slice %arg6[%dma_start3A_355, %dma_start3A_357, %dma_start3A_358] : memref<8x128x64xf32, #tpu.memory_space<vmem>> -> memref<1x128x64xf32, #tpu.memory_space<vmem>>
    %dma_start3A_360 = tpu.memref_squeeze %dma_start3A_359 : memref<1x128x64xf32, #tpu.memory_space<vmem>> -> memref<128x64xf32, #tpu.memory_space<vmem>>
    %dma_start3A_361 = arith.constant 0 : i32
    %dma_start3A_362 = tpu.memref_slice %arg4[%mul3A_354, %dma_start3A_361] : memref<819200x64xf32, #tpu.memory_space<hbm>> -> memref<128x64xf32, #tpu.memory_space<hbm>>
    %dma_start3A_363 = tpu.memref_slice %arg8[%dma_start3A_356] : memref<8x!tpu.dma_semaphore, #tpu.memory_space<semaphore_mem>> -> memref<1x!tpu.dma_semaphore, #tpu.memory_space<semaphore_mem>>
    %dma_start3A_364 = tpu.memref_squeeze %dma_start3A_363 : memref<1x!tpu.dma_semaphore, #tpu.memory_space<semaphore_mem>> -> memref<!tpu.dma_semaphore, #tpu.memory_space<semaphore_mem>>
    %dma_start3A_365 = arith.constant 0 : i32
    %dma_start3A_366 = tpu.memref_slice %arg4[%mul3A_354, %dma_start3A_365] : memref<819200x64xf32, #tpu.memory_space<hbm>> -> memref<128x64xf32, #tpu.memory_space<hbm>>
    %dma_start3A_367 = arith.constant 0 : i32
    %dma_start3A_368 = arith.constant 0 : i32
    %dma_start3A_369 = tpu.memref_slice %arg6[%dma_start3A_355, %dma_start3A_367, %dma_start3A_368] : memref<8x128x64xf32, #tpu.memory_space<vmem>> -> memref<1x128x64xf32, #tpu.memory_space<vmem>>
    %dma_start3A_370 = tpu.memref_squeeze %dma_start3A_369 : memref<1x128x64xf32, #tpu.memory_space<vmem>> -> memref<128x64xf32, #tpu.memory_space<vmem>>
    tpu.enqueue_dma source(%dma_start3A_370 : memref<128x64xf32, #tpu.memory_space<vmem>>) target(%dma_start3A_366 : memref<128x64xf32, #tpu.memory_space<hbm>>) target_semaphore(%dma_start3A_364 : memref<!tpu.dma_semaphore, #tpu.memory_space<semaphore_mem>>)
    %dma_wait3A_371 = arith.constant 199 : i32
    %dma_wait3A_372 = arith.constant 7 : i32
    %dma_wait3A_373 = arith.constant 7 : i32
    %dma_wait3A_374 = arith.constant 0 : i32
    %dma_wait3A_375 = arith.constant 0 : i32
    %dma_wait3A_376 = tpu.memref_slice %arg6[%dma_wait3A_372, %dma_wait3A_374, %dma_wait3A_375] : memref<8x128x64xf32, #tpu.memory_space<vmem>> -> memref<1x128x64xf32, #tpu.memory_space<vmem>>
    %dma_wait3A_377 = tpu.memref_squeeze %dma_wait3A_376 : memref<1x128x64xf32, #tpu.memory_space<vmem>> -> memref<128x64xf32, #tpu.memory_space<vmem>>
    %dma_wait3A_378 = arith.constant 0 : i32
    %dma_wait3A_379 = tpu.memref_slice %arg5[%dma_wait3A_371, %dma_wait3A_378] : memref<200x128xi32, #tpu.memory_space<vmem>> -> memref<1x128xi32, #tpu.memory_space<vmem>>
    %dma_wait3A_380 = tpu.memref_squeeze %dma_wait3A_379 : memref<1x128xi32, #tpu.memory_space<vmem>> -> memref<128xi32, #tpu.memory_space<vmem>>
    %dma_wait3A_381 = arith.constant 0 : i32
    %dma_wait3A_382 = arith.constant 0 : i32
    %dma_wait3A_383 = tpu.memref_slice %arg3[%dma_wait3A_381, %dma_wait3A_382] : memref<1000000x64xf32, #tpu.memory_space<hbm>> -> memref<1000000x64xf32, #tpu.memory_space<hbm>>
    %dma_wait3A_384 = tpu.memref_slice %arg7[%dma_wait3A_373] : memref<8x!tpu.dma_semaphore, #tpu.memory_space<semaphore_mem>> -> memref<1x!tpu.dma_semaphore, #tpu.memory_space<semaphore_mem>>
    %dma_wait3A_385 = tpu.memref_squeeze %dma_wait3A_384 : memref<1x!tpu.dma_semaphore, #tpu.memory_space<semaphore_mem>> -> memref<!tpu.dma_semaphore, #tpu.memory_space<semaphore_mem>>
    tpu.wait_indirect_dma semaphore(%dma_wait3A_385 : memref<!tpu.dma_semaphore, #tpu.memory_space<semaphore_mem>>) src(%dma_wait3A_383 : memref<1000000x64xf32, #tpu.memory_space<hbm>>) dst(%dma_wait3A_377 : memref<128x64xf32, #tpu.memory_space<vmem>>)
    %add3A_386 = arith.constant 199 : i32
    %add3A_387 = arith.addi %mul3A_2, %add3A_386 : i32
    %mul3A_388 = arith.constant 128 : i32
    %mul3A_389 = arith.muli %add3A_387, %mul3A_388 : i32
    %dma_start3A_390 = arith.constant 7 : i32
    %dma_start3A_391 = arith.constant 7 : i32
    %dma_start3A_392 = arith.constant 0 : i32
    %dma_start3A_393 = arith.constant 0 : i32
    %dma_start3A_394 = tpu.memref_slice %arg6[%dma_start3A_390, %dma_start3A_392, %dma_start3A_393] : memref<8x128x64xf32, #tpu.memory_space<vmem>> -> memref<1x128x64xf32, #tpu.memory_space<vmem>>
    %dma_start3A_395 = tpu.memref_squeeze %dma_start3A_394 : memref<1x128x64xf32, #tpu.memory_space<vmem>> -> memref<128x64xf32, #tpu.memory_space<vmem>>
    %dma_start3A_396 = arith.constant 0 : i32
    %dma_start3A_397 = tpu.memref_slice %arg4[%mul3A_389, %dma_start3A_396] : memref<819200x64xf32, #tpu.memory_space<hbm>> -> memref<128x64xf32, #tpu.memory_space<hbm>>
    %dma_start3A_398 = tpu.memref_slice %arg8[%dma_start3A_391] : memref<8x!tpu.dma_semaphore, #tpu.memory_space<semaphore_mem>> -> memref<1x!tpu.dma_semaphore, #tpu.memory_space<semaphore_mem>>
    %dma_start3A_399 = tpu.memref_squeeze %dma_start3A_398 : memref<1x!tpu.dma_semaphore, #tpu.memory_space<semaphore_mem>> -> memref<!tpu.dma_semaphore, #tpu.memory_space<semaphore_mem>>
    %dma_start3A_400 = arith.constant 0 : i32
    %dma_start3A_401 = tpu.memref_slice %arg4[%mul3A_389, %dma_start3A_400] : memref<819200x64xf32, #tpu.memory_space<hbm>> -> memref<128x64xf32, #tpu.memory_space<hbm>>
    %dma_start3A_402 = arith.constant 0 : i32
    %dma_start3A_403 = arith.constant 0 : i32
    %dma_start3A_404 = tpu.memref_slice %arg6[%dma_start3A_390, %dma_start3A_402, %dma_start3A_403] : memref<8x128x64xf32, #tpu.memory_space<vmem>> -> memref<1x128x64xf32, #tpu.memory_space<vmem>>
    %dma_start3A_405 = tpu.memref_squeeze %dma_start3A_404 : memref<1x128x64xf32, #tpu.memory_space<vmem>> -> memref<128x64xf32, #tpu.memory_space<vmem>>
    tpu.enqueue_dma source(%dma_start3A_405 : memref<128x64xf32, #tpu.memory_space<vmem>>) target(%dma_start3A_401 : memref<128x64xf32, #tpu.memory_space<hbm>>) target_semaphore(%dma_start3A_399 : memref<!tpu.dma_semaphore, #tpu.memory_space<semaphore_mem>>)
    %add3A_406 = arith.constant 192 : i32
    %add3A_407 = arith.addi %mul3A_2, %add3A_406 : i32
    %mul3A_408 = arith.constant 128 : i32
    %mul3A_409 = arith.muli %add3A_407, %mul3A_408 : i32
    %dma_wait3A_410 = arith.constant 0 : i32
    %dma_wait3A_411 = arith.constant 0 : i32
    %dma_wait3A_412 = arith.constant 0 : i32
    %dma_wait3A_413 = arith.constant 0 : i32
    %dma_wait3A_414 = tpu.memref_slice %arg6[%dma_wait3A_410, %dma_wait3A_412, %dma_wait3A_413] : memref<8x128x64xf32, #tpu.memory_space<vmem>> -> memref<1x128x64xf32, #tpu.memory_space<vmem>>
    %dma_wait3A_415 = tpu.memref_squeeze %dma_wait3A_414 : memref<1x128x64xf32, #tpu.memory_space<vmem>> -> memref<128x64xf32, #tpu.memory_space<vmem>>
    %dma_wait3A_416 = arith.constant 0 : i32
    %dma_wait3A_417 = tpu.memref_slice %arg4[%mul3A_409, %dma_wait3A_416] : memref<819200x64xf32, #tpu.memory_space<hbm>> -> memref<128x64xf32, #tpu.memory_space<hbm>>
    %dma_wait3A_418 = tpu.memref_slice %arg8[%dma_wait3A_411] : memref<8x!tpu.dma_semaphore, #tpu.memory_space<semaphore_mem>> -> memref<1x!tpu.dma_semaphore, #tpu.memory_space<semaphore_mem>>
    %dma_wait3A_419 = tpu.memref_squeeze %dma_wait3A_418 : memref<1x!tpu.dma_semaphore, #tpu.memory_space<semaphore_mem>> -> memref<!tpu.dma_semaphore, #tpu.memory_space<semaphore_mem>>
    %dma_wait3A_420 = arith.constant 0 : i32
    %dma_wait3A_421 = tpu.memref_slice %arg4[%mul3A_409, %dma_wait3A_420] : memref<819200x64xf32, #tpu.memory_space<hbm>> -> memref<128x64xf32, #tpu.memory_space<hbm>>
    %dma_wait3A_422 = arith.constant 0 : i32
    %dma_wait3A_423 = arith.constant 0 : i32
    %dma_wait3A_424 = tpu.memref_slice %arg6[%dma_wait3A_410, %dma_wait3A_422, %dma_wait3A_423] : memref<8x128x64xf32, #tpu.memory_space<vmem>> -> memref<1x128x64xf32, #tpu.memory_space<vmem>>
    %dma_wait3A_425 = tpu.memref_squeeze %dma_wait3A_424 : memref<1x128x64xf32, #tpu.memory_space<vmem>> -> memref<128x64xf32, #tpu.memory_space<vmem>>
    tpu.wait_dma2 semaphore(%dma_wait3A_419 : memref<!tpu.dma_semaphore, #tpu.memory_space<semaphore_mem>>) src(%dma_wait3A_425 : memref<128x64xf32, #tpu.memory_space<vmem>>) dst(%dma_wait3A_421 : memref<128x64xf32, #tpu.memory_space<hbm>>)
    %add3A_426 = arith.constant 193 : i32
    %add3A_427 = arith.addi %mul3A_2, %add3A_426 : i32
    %mul3A_428 = arith.constant 128 : i32
    %mul3A_429 = arith.muli %add3A_427, %mul3A_428 : i32
    %dma_wait3A_430 = arith.constant 1 : i32
    %dma_wait3A_431 = arith.constant 1 : i32
    %dma_wait3A_432 = arith.constant 0 : i32
    %dma_wait3A_433 = arith.constant 0 : i32
    %dma_wait3A_434 = tpu.memref_slice %arg6[%dma_wait3A_430, %dma_wait3A_432, %dma_wait3A_433] : memref<8x128x64xf32, #tpu.memory_space<vmem>> -> memref<1x128x64xf32, #tpu.memory_space<vmem>>
    %dma_wait3A_435 = tpu.memref_squeeze %dma_wait3A_434 : memref<1x128x64xf32, #tpu.memory_space<vmem>> -> memref<128x64xf32, #tpu.memory_space<vmem>>
    %dma_wait3A_436 = arith.constant 0 : i32
    %dma_wait3A_437 = tpu.memref_slice %arg4[%mul3A_429, %dma_wait3A_436] : memref<819200x64xf32, #tpu.memory_space<hbm>> -> memref<128x64xf32, #tpu.memory_space<hbm>>
    %dma_wait3A_438 = tpu.memref_slice %arg8[%dma_wait3A_431] : memref<8x!tpu.dma_semaphore, #tpu.memory_space<semaphore_mem>> -> memref<1x!tpu.dma_semaphore, #tpu.memory_space<semaphore_mem>>
    %dma_wait3A_439 = tpu.memref_squeeze %dma_wait3A_438 : memref<1x!tpu.dma_semaphore, #tpu.memory_space<semaphore_mem>> -> memref<!tpu.dma_semaphore, #tpu.memory_space<semaphore_mem>>
    %dma_wait3A_440 = arith.constant 0 : i32
    %dma_wait3A_441 = tpu.memref_slice %arg4[%mul3A_429, %dma_wait3A_440] : memref<819200x64xf32, #tpu.memory_space<hbm>> -> memref<128x64xf32, #tpu.memory_space<hbm>>
    %dma_wait3A_442 = arith.constant 0 : i32
    %dma_wait3A_443 = arith.constant 0 : i32
    %dma_wait3A_444 = tpu.memref_slice %arg6[%dma_wait3A_430, %dma_wait3A_442, %dma_wait3A_443] : memref<8x128x64xf32, #tpu.memory_space<vmem>> -> memref<1x128x64xf32, #tpu.memory_space<vmem>>
    %dma_wait3A_445 = tpu.memref_squeeze %dma_wait3A_444 : memref<1x128x64xf32, #tpu.memory_space<vmem>> -> memref<128x64xf32, #tpu.memory_space<vmem>>
    tpu.wait_dma2 semaphore(%dma_wait3A_439 : memref<!tpu.dma_semaphore, #tpu.memory_space<semaphore_mem>>) src(%dma_wait3A_445 : memref<128x64xf32, #tpu.memory_space<vmem>>) dst(%dma_wait3A_441 : memref<128x64xf32, #tpu.memory_space<hbm>>)
    %add3A_446 = arith.constant 194 : i32
    %add3A_447 = arith.addi %mul3A_2, %add3A_446 : i32
    %mul3A_448 = arith.constant 128 : i32
    %mul3A_449 = arith.muli %add3A_447, %mul3A_448 : i32
    %dma_wait3A_450 = arith.constant 2 : i32
    %dma_wait3A_451 = arith.constant 2 : i32
    %dma_wait3A_452 = arith.constant 0 : i32
    %dma_wait3A_453 = arith.constant 0 : i32
    %dma_wait3A_454 = tpu.memref_slice %arg6[%dma_wait3A_450, %dma_wait3A_452, %dma_wait3A_453] : memref<8x128x64xf32, #tpu.memory_space<vmem>> -> memref<1x128x64xf32, #tpu.memory_space<vmem>>
    %dma_wait3A_455 = tpu.memref_squeeze %dma_wait3A_454 : memref<1x128x64xf32, #tpu.memory_space<vmem>> -> memref<128x64xf32, #tpu.memory_space<vmem>>
    %dma_wait3A_456 = arith.constant 0 : i32
    %dma_wait3A_457 = tpu.memref_slice %arg4[%mul3A_449, %dma_wait3A_456] : memref<819200x64xf32, #tpu.memory_space<hbm>> -> memref<128x64xf32, #tpu.memory_space<hbm>>
    %dma_wait3A_458 = tpu.memref_slice %arg8[%dma_wait3A_451] : memref<8x!tpu.dma_semaphore, #tpu.memory_space<semaphore_mem>> -> memref<1x!tpu.dma_semaphore, #tpu.memory_space<semaphore_mem>>
    %dma_wait3A_459 = tpu.memref_squeeze %dma_wait3A_458 : memref<1x!tpu.dma_semaphore, #tpu.memory_space<semaphore_mem>> -> memref<!tpu.dma_semaphore, #tpu.memory_space<semaphore_mem>>
    %dma_wait3A_460 = arith.constant 0 : i32
    %dma_wait3A_461 = tpu.memref_slice %arg4[%mul3A_449, %dma_wait3A_460] : memref<819200x64xf32, #tpu.memory_space<hbm>> -> memref<128x64xf32, #tpu.memory_space<hbm>>
    %dma_wait3A_462 = arith.constant 0 : i32
    %dma_wait3A_463 = arith.constant 0 : i32
    %dma_wait3A_464 = tpu.memref_slice %arg6[%dma_wait3A_450, %dma_wait3A_462, %dma_wait3A_463] : memref<8x128x64xf32, #tpu.memory_space<vmem>> -> memref<1x128x64xf32, #tpu.memory_space<vmem>>
    %dma_wait3A_465 = tpu.memref_squeeze %dma_wait3A_464 : memref<1x128x64xf32, #tpu.memory_space<vmem>> -> memref<128x64xf32, #tpu.memory_space<vmem>>
    tpu.wait_dma2 semaphore(%dma_wait3A_459 : memref<!tpu.dma_semaphore, #tpu.memory_space<semaphore_mem>>) src(%dma_wait3A_465 : memref<128x64xf32, #tpu.memory_space<vmem>>) dst(%dma_wait3A_461 : memref<128x64xf32, #tpu.memory_space<hbm>>)
    %add3A_466 = arith.constant 195 : i32
    %add3A_467 = arith.addi %mul3A_2, %add3A_466 : i32
    %mul3A_468 = arith.constant 128 : i32
    %mul3A_469 = arith.muli %add3A_467, %mul3A_468 : i32
    %dma_wait3A_470 = arith.constant 3 : i32
    %dma_wait3A_471 = arith.constant 3 : i32
    %dma_wait3A_472 = arith.constant 0 : i32
    %dma_wait3A_473 = arith.constant 0 : i32
    %dma_wait3A_474 = tpu.memref_slice %arg6[%dma_wait3A_470, %dma_wait3A_472, %dma_wait3A_473] : memref<8x128x64xf32, #tpu.memory_space<vmem>> -> memref<1x128x64xf32, #tpu.memory_space<vmem>>
    %dma_wait3A_475 = tpu.memref_squeeze %dma_wait3A_474 : memref<1x128x64xf32, #tpu.memory_space<vmem>> -> memref<128x64xf32, #tpu.memory_space<vmem>>
    %dma_wait3A_476 = arith.constant 0 : i32
    %dma_wait3A_477 = tpu.memref_slice %arg4[%mul3A_469, %dma_wait3A_476] : memref<819200x64xf32, #tpu.memory_space<hbm>> -> memref<128x64xf32, #tpu.memory_space<hbm>>
    %dma_wait3A_478 = tpu.memref_slice %arg8[%dma_wait3A_471] : memref<8x!tpu.dma_semaphore, #tpu.memory_space<semaphore_mem>> -> memref<1x!tpu.dma_semaphore, #tpu.memory_space<semaphore_mem>>
    %dma_wait3A_479 = tpu.memref_squeeze %dma_wait3A_478 : memref<1x!tpu.dma_semaphore, #tpu.memory_space<semaphore_mem>> -> memref<!tpu.dma_semaphore, #tpu.memory_space<semaphore_mem>>
    %dma_wait3A_480 = arith.constant 0 : i32
    %dma_wait3A_481 = tpu.memref_slice %arg4[%mul3A_469, %dma_wait3A_480] : memref<819200x64xf32, #tpu.memory_space<hbm>> -> memref<128x64xf32, #tpu.memory_space<hbm>>
    %dma_wait3A_482 = arith.constant 0 : i32
    %dma_wait3A_483 = arith.constant 0 : i32
    %dma_wait3A_484 = tpu.memref_slice %arg6[%dma_wait3A_470, %dma_wait3A_482, %dma_wait3A_483] : memref<8x128x64xf32, #tpu.memory_space<vmem>> -> memref<1x128x64xf32, #tpu.memory_space<vmem>>
    %dma_wait3A_485 = tpu.memref_squeeze %dma_wait3A_484 : memref<1x128x64xf32, #tpu.memory_space<vmem>> -> memref<128x64xf32, #tpu.memory_space<vmem>>
    tpu.wait_dma2 semaphore(%dma_wait3A_479 : memref<!tpu.dma_semaphore, #tpu.memory_space<semaphore_mem>>) src(%dma_wait3A_485 : memref<128x64xf32, #tpu.memory_space<vmem>>) dst(%dma_wait3A_481 : memref<128x64xf32, #tpu.memory_space<hbm>>)
    %add3A_486 = arith.constant 196 : i32
    %add3A_487 = arith.addi %mul3A_2, %add3A_486 : i32
    %mul3A_488 = arith.constant 128 : i32
    %mul3A_489 = arith.muli %add3A_487, %mul3A_488 : i32
    %dma_wait3A_490 = arith.constant 4 : i32
    %dma_wait3A_491 = arith.constant 4 : i32
    %dma_wait3A_492 = arith.constant 0 : i32
    %dma_wait3A_493 = arith.constant 0 : i32
    %dma_wait3A_494 = tpu.memref_slice %arg6[%dma_wait3A_490, %dma_wait3A_492, %dma_wait3A_493] : memref<8x128x64xf32, #tpu.memory_space<vmem>> -> memref<1x128x64xf32, #tpu.memory_space<vmem>>
    %dma_wait3A_495 = tpu.memref_squeeze %dma_wait3A_494 : memref<1x128x64xf32, #tpu.memory_space<vmem>> -> memref<128x64xf32, #tpu.memory_space<vmem>>
    %dma_wait3A_496 = arith.constant 0 : i32
    %dma_wait3A_497 = tpu.memref_slice %arg4[%mul3A_489, %dma_wait3A_496] : memref<819200x64xf32, #tpu.memory_space<hbm>> -> memref<128x64xf32, #tpu.memory_space<hbm>>
    %dma_wait3A_498 = tpu.memref_slice %arg8[%dma_wait3A_491] : memref<8x!tpu.dma_semaphore, #tpu.memory_space<semaphore_mem>> -> memref<1x!tpu.dma_semaphore, #tpu.memory_space<semaphore_mem>>
    %dma_wait3A_499 = tpu.memref_squeeze %dma_wait3A_498 : memref<1x!tpu.dma_semaphore, #tpu.memory_space<semaphore_mem>> -> memref<!tpu.dma_semaphore, #tpu.memory_space<semaphore_mem>>
    %dma_wait3A_500 = arith.constant 0 : i32
    %dma_wait3A_501 = tpu.memref_slice %arg4[%mul3A_489, %dma_wait3A_500] : memref<819200x64xf32, #tpu.memory_space<hbm>> -> memref<128x64xf32, #tpu.memory_space<hbm>>
    %dma_wait3A_502 = arith.constant 0 : i32
    %dma_wait3A_503 = arith.constant 0 : i32
    %dma_wait3A_504 = tpu.memref_slice %arg6[%dma_wait3A_490, %dma_wait3A_502, %dma_wait3A_503] : memref<8x128x64xf32, #tpu.memory_space<vmem>> -> memref<1x128x64xf32, #tpu.memory_space<vmem>>
    %dma_wait3A_505 = tpu.memref_squeeze %dma_wait3A_504 : memref<1x128x64xf32, #tpu.memory_space<vmem>> -> memref<128x64xf32, #tpu.memory_space<vmem>>
    tpu.wait_dma2 semaphore(%dma_wait3A_499 : memref<!tpu.dma_semaphore, #tpu.memory_space<semaphore_mem>>) src(%dma_wait3A_505 : memref<128x64xf32, #tpu.memory_space<vmem>>) dst(%dma_wait3A_501 : memref<128x64xf32, #tpu.memory_space<hbm>>)
    %add3A_506 = arith.constant 197 : i32
    %add3A_507 = arith.addi %mul3A_2, %add3A_506 : i32
    %mul3A_508 = arith.constant 128 : i32
    %mul3A_509 = arith.muli %add3A_507, %mul3A_508 : i32
    %dma_wait3A_510 = arith.constant 5 : i32
    %dma_wait3A_511 = arith.constant 5 : i32
    %dma_wait3A_512 = arith.constant 0 : i32
    %dma_wait3A_513 = arith.constant 0 : i32
    %dma_wait3A_514 = tpu.memref_slice %arg6[%dma_wait3A_510, %dma_wait3A_512, %dma_wait3A_513] : memref<8x128x64xf32, #tpu.memory_space<vmem>> -> memref<1x128x64xf32, #tpu.memory_space<vmem>>
    %dma_wait3A_515 = tpu.memref_squeeze %dma_wait3A_514 : memref<1x128x64xf32, #tpu.memory_space<vmem>> -> memref<128x64xf32, #tpu.memory_space<vmem>>
    %dma_wait3A_516 = arith.constant 0 : i32
    %dma_wait3A_517 = tpu.memref_slice %arg4[%mul3A_509, %dma_wait3A_516] : memref<819200x64xf32, #tpu.memory_space<hbm>> -> memref<128x64xf32, #tpu.memory_space<hbm>>
    %dma_wait3A_518 = tpu.memref_slice %arg8[%dma_wait3A_511] : memref<8x!tpu.dma_semaphore, #tpu.memory_space<semaphore_mem>> -> memref<1x!tpu.dma_semaphore, #tpu.memory_space<semaphore_mem>>
    %dma_wait3A_519 = tpu.memref_squeeze %dma_wait3A_518 : memref<1x!tpu.dma_semaphore, #tpu.memory_space<semaphore_mem>> -> memref<!tpu.dma_semaphore, #tpu.memory_space<semaphore_mem>>
    %dma_wait3A_520 = arith.constant 0 : i32
    %dma_wait3A_521 = tpu.memref_slice %arg4[%mul3A_509, %dma_wait3A_520] : memref<819200x64xf32, #tpu.memory_space<hbm>> -> memref<128x64xf32, #tpu.memory_space<hbm>>
    %dma_wait3A_522 = arith.constant 0 : i32
    %dma_wait3A_523 = arith.constant 0 : i32
    %dma_wait3A_524 = tpu.memref_slice %arg6[%dma_wait3A_510, %dma_wait3A_522, %dma_wait3A_523] : memref<8x128x64xf32, #tpu.memory_space<vmem>> -> memref<1x128x64xf32, #tpu.memory_space<vmem>>
    %dma_wait3A_525 = tpu.memref_squeeze %dma_wait3A_524 : memref<1x128x64xf32, #tpu.memory_space<vmem>> -> memref<128x64xf32, #tpu.memory_space<vmem>>
    tpu.wait_dma2 semaphore(%dma_wait3A_519 : memref<!tpu.dma_semaphore, #tpu.memory_space<semaphore_mem>>) src(%dma_wait3A_525 : memref<128x64xf32, #tpu.memory_space<vmem>>) dst(%dma_wait3A_521 : memref<128x64xf32, #tpu.memory_space<hbm>>)
    %add3A_526 = arith.constant 198 : i32
    %add3A_527 = arith.addi %mul3A_2, %add3A_526 : i32
    %mul3A_528 = arith.constant 128 : i32
    %mul3A_529 = arith.muli %add3A_527, %mul3A_528 : i32
    %dma_wait3A_530 = arith.constant 6 : i32
    %dma_wait3A_531 = arith.constant 6 : i32
    %dma_wait3A_532 = arith.constant 0 : i32
    %dma_wait3A_533 = arith.constant 0 : i32
    %dma_wait3A_534 = tpu.memref_slice %arg6[%dma_wait3A_530, %dma_wait3A_532, %dma_wait3A_533] : memref<8x128x64xf32, #tpu.memory_space<vmem>> -> memref<1x128x64xf32, #tpu.memory_space<vmem>>
    %dma_wait3A_535 = tpu.memref_squeeze %dma_wait3A_534 : memref<1x128x64xf32, #tpu.memory_space<vmem>> -> memref<128x64xf32, #tpu.memory_space<vmem>>
    %dma_wait3A_536 = arith.constant 0 : i32
    %dma_wait3A_537 = tpu.memref_slice %arg4[%mul3A_529, %dma_wait3A_536] : memref<819200x64xf32, #tpu.memory_space<hbm>> -> memref<128x64xf32, #tpu.memory_space<hbm>>
    %dma_wait3A_538 = tpu.memref_slice %arg8[%dma_wait3A_531] : memref<8x!tpu.dma_semaphore, #tpu.memory_space<semaphore_mem>> -> memref<1x!tpu.dma_semaphore, #tpu.memory_space<semaphore_mem>>
    %dma_wait3A_539 = tpu.memref_squeeze %dma_wait3A_538 : memref<1x!tpu.dma_semaphore, #tpu.memory_space<semaphore_mem>> -> memref<!tpu.dma_semaphore, #tpu.memory_space<semaphore_mem>>
    %dma_wait3A_540 = arith.constant 0 : i32
    %dma_wait3A_541 = tpu.memref_slice %arg4[%mul3A_529, %dma_wait3A_540] : memref<819200x64xf32, #tpu.memory_space<hbm>> -> memref<128x64xf32, #tpu.memory_space<hbm>>
    %dma_wait3A_542 = arith.constant 0 : i32
    %dma_wait3A_543 = arith.constant 0 : i32
    %dma_wait3A_544 = tpu.memref_slice %arg6[%dma_wait3A_530, %dma_wait3A_542, %dma_wait3A_543] : memref<8x128x64xf32, #tpu.memory_space<vmem>> -> memref<1x128x64xf32, #tpu.memory_space<vmem>>
    %dma_wait3A_545 = tpu.memref_squeeze %dma_wait3A_544 : memref<1x128x64xf32, #tpu.memory_space<vmem>> -> memref<128x64xf32, #tpu.memory_space<vmem>>
    tpu.wait_dma2 semaphore(%dma_wait3A_539 : memref<!tpu.dma_semaphore, #tpu.memory_space<semaphore_mem>>) src(%dma_wait3A_545 : memref<128x64xf32, #tpu.memory_space<vmem>>) dst(%dma_wait3A_541 : memref<128x64xf32, #tpu.memory_space<hbm>>)
    %add3A_546 = arith.constant 199 : i32
    %add3A_547 = arith.addi %mul3A_2, %add3A_546 : i32
    %mul3A_548 = arith.constant 128 : i32
    %mul3A_549 = arith.muli %add3A_547, %mul3A_548 : i32
    %dma_wait3A_550 = arith.constant 7 : i32
    %dma_wait3A_551 = arith.constant 7 : i32
    %dma_wait3A_552 = arith.constant 0 : i32
    %dma_wait3A_553 = arith.constant 0 : i32
    %dma_wait3A_554 = tpu.memref_slice %arg6[%dma_wait3A_550, %dma_wait3A_552, %dma_wait3A_553] : memref<8x128x64xf32, #tpu.memory_space<vmem>> -> memref<1x128x64xf32, #tpu.memory_space<vmem>>
    %dma_wait3A_555 = tpu.memref_squeeze %dma_wait3A_554 : memref<1x128x64xf32, #tpu.memory_space<vmem>> -> memref<128x64xf32, #tpu.memory_space<vmem>>
    %dma_wait3A_556 = arith.constant 0 : i32
    %dma_wait3A_557 = tpu.memref_slice %arg4[%mul3A_549, %dma_wait3A_556] : memref<819200x64xf32, #tpu.memory_space<hbm>> -> memref<128x64xf32, #tpu.memory_space<hbm>>
    %dma_wait3A_558 = tpu.memref_slice %arg8[%dma_wait3A_551] : memref<8x!tpu.dma_semaphore, #tpu.memory_space<semaphore_mem>> -> memref<1x!tpu.dma_semaphore, #tpu.memory_space<semaphore_mem>>
    %dma_wait3A_559 = tpu.memref_squeeze %dma_wait3A_558 : memref<1x!tpu.dma_semaphore, #tpu.memory_space<semaphore_mem>> -> memref<!tpu.dma_semaphore, #tpu.memory_space<semaphore_mem>>
    %dma_wait3A_560 = arith.constant 0 : i32
    %dma_wait3A_561 = tpu.memref_slice %arg4[%mul3A_549, %dma_wait3A_560] : memref<819200x64xf32, #tpu.memory_space<hbm>> -> memref<128x64xf32, #tpu.memory_space<hbm>>
    %dma_wait3A_562 = arith.constant 0 : i32
    %dma_wait3A_563 = arith.constant 0 : i32
    %dma_wait3A_564 = tpu.memref_slice %arg6[%dma_wait3A_550, %dma_wait3A_562, %dma_wait3A_563] : memref<8x128x64xf32, #tpu.memory_space<vmem>> -> memref<1x128x64xf32, #tpu.memory_space<vmem>>
    %dma_wait3A_565 = tpu.memref_squeeze %dma_wait3A_564 : memref<1x128x64xf32, #tpu.memory_space<vmem>> -> memref<128x64xf32, #tpu.memory_space<vmem>>
    tpu.wait_dma2 semaphore(%dma_wait3A_559 : memref<!tpu.dma_semaphore, #tpu.memory_space<semaphore_mem>>) src(%dma_wait3A_565 : memref<128x64xf32, #tpu.memory_space<vmem>>) dst(%dma_wait3A_561 : memref<128x64xf32, #tpu.memory_space<hbm>>)
    return
  }
}

</mosaic_0001>

<sc_bundles>
// kernel: kernel.3.cloned.1.call-start
scs
__scs_entry_jumppad:
0x0: {  	(pc) =	sbr.rel $0x88, $3  }
0x1: {  	(tag) =	ssettag $0x0;
	lr =	simm.s32 $0x1  }
0x2: {  	[smem:$0x3F9F] =	sst lr;
	_ =	strace $0xD0000000  }
0x3: {  	_ = 	snop  }
0x4: {  	_ = 	snop  }
0x5: {  	_ = 	snop  }
0x6: {  	_ = 	snop  }
0x7: {  	_ = 	snop  }
__scs_overlays_trampoline_lowered:
0x8: {  	[smem:$0x3FAE] =	sst s0  }
0x9: {  	[smem:$0x3FAF] =	sst s1  }
0xa: {  	[smem:$0x3FB0] =	sst s2  }
0xb: {  	[smem:$0x3FB1] =	sst s3  }
0xc: {  	[smem:$0x3FB2] =	sst s4  }
0xd: {  	[smem:$0x3FB3] =	sst s5  }
0xe: {  	[smem:$0x3FB4] =	sst s6  }
0xf: {  	[smem:$0x3FB5] =	sst s7  }
0x10: {  	[smem:$0x3FB6] =	sst s8  }
0x11: {  	[smem:$0x3FB7] =	sst s9;
	s0 =	simm.s32 @!p0 $0x0  }
0x12: {  	s1 =	sld [smem:$0x3F9D];
	s0 =	simm.s32 @p0 $0x1  }
0x13: {  	[smem:$0x3FB8] =	sst s0;
	s0 =	simm.s32 @!p1 $0x0  }
0x14: {  	s2 =	sld [smem:$0x3F9C];
	s0 =	simm.s32 @p1 $0x1  }
0x15: {  	[smem:$0x3FB9] =	sst s0;
	s0 =	simm.s32 @!p2 $0x0  }
0x16: {  	s3 =	sld [smem:$0x3FDB];
	s0 =	simm.s32 @p2 $0x1  }
0x17: {  	s4 =	simm.s32 $0x1BF5;
	[smem:$0x3FBB] =	sst s0  }
0x18: {  	s0 =	sld [smem:$0x3F9E];
	_ =	swait.ge [sflag:s4], $0x0  }
0x19: {  	s7 =	sld [smem:$0x3F9F]  }
0x1a: {  	s8 =	sadd.s32 $0xFFFFE003, lr  }
0x1b: {  	s9 =	sadd.s32 $0xFFFFFEF7, lr;
	s5 =	simm.s32 $0xFFFFFFFF;
	p2 =	slt.u32 s8, $0xFFFFF086  }
0x1c: {  	p1 =	slt.u32 s9, $0xF7A;
	s5 =	simm.s32 @!p2 $0x0  }
0x1d: {  	s5 =	simm.s32 @p1 $0x1;
	p0 =	seq.s32 s7, s2  }
0x1e: {  	s7 =	smul.u32 @!p0 $0xF7A, s2;
	p2 =	seq.s32 @!p0 s5, $0x0  }
0x1f: {  	s9 =	smul.u32 $0xF7A, s1;
	s8 =	simm.s32 @!p0 $0x1BF5;
	p2 =	por !p2, p0  }
0x20: {  	[sflag:s8] =	ssyncset.s32 @!p0 $0xFFFFF086;
	s6 =	sadd.s32 @!p0 s3, s7;
	s7 =	simm.s32 @!p0 $0x108  }
0x21: {  	s3 =	sadd.s32 s3, s9;
	s6 =	sadd.s32 @!p0 $0x88, s6;
	s7 =	simm.s32 @p2 $0x1082  }
0x22: {  	[simem:s7], [sflag:s8] =	dma.local @!p0 [hbm:s6], $0xF7A  }
0x23: {  	s9 =	sor.u32 $0xD0000000, s2;
	s6 =	simm.s32 $0x108;
	_ =	swait.ge @!p0 [sflag:s8], $0x0  }
0x24: {  	s3 =	sadd.s32 $0x88, s3;
	s6 =	simm.s32 @!p1 $0x1082;
	[sflag:s4] =	ssyncset.s32 $0xFFFFF086  }
0x25: {  	[simem:s6], [sflag:s4] =	dma.local [hbm:s3], $0xF7A  }
0x26: {  	[smem:$0x3F9F] =	sst s1;
	(tag) =	ssettag s2;
	_ =	strace s9  }
0x27: {  	s1 =	sld [smem:$0x3FAF]  }
0x28: {  	s2 =	sld [smem:$0x3FB0]  }
0x29: {  	s4 =	sld [smem:$0x3FB2]  }
0x2a: {  	p0 =	seq.s32 s5, $0x0;
	s5 =	sld [smem:$0x3FB3]  }
0x2b: {  	s6 =	sld [smem:$0x3FB4]  }
0x2c: {  	s7 =	sld [smem:$0x3FB5]  }
0x2d: {  	s3 =	simm.s32 $0x108;
	s8 =	sld [smem:$0x3FB6]  }
0x2e: {  	s3 =	simm.s32 @!p0 $0x1082;
	s9 =	sld [smem:$0x3FB7]  }
0x2f: {  	lr =	sadd.s32 s0, s3;
	s0 =	sld [smem:$0x3FAE]  }
0x30: {  	s3 =	sld [smem:$0x3FB1]  }
0x31: {  	[smem:$0x3FBA] =	sst s10  }
0x32: {  	s10 =	sld [smem:$0x3FB8];
	_ =	sdelay $0x3  }
0x33: {  	p0 =	seq.s32 s10, $0x1;
	s10 =	sld [smem:$0x3FBA];
	_ =	sdelay $0x3  }
0x34: {  	[smem:$0x3FBA] =	sst s10  }
0x35: {  	s10 =	sld [smem:$0x3FB9];
	_ =	sdelay $0x3  }
0x36: {  	p1 =	seq.s32 s10, $0x1;
	s10 =	sld [smem:$0x3FBA];
	_ =	sdelay $0x3  }
0x37: {  	[smem:$0x3FBA] =	sst s10  }
0x38: {  	s10 =	sld [smem:$0x3FBB]  }
0x39: {  	_ = 	snop;
	(pc) =	sbr.ind lr, $3  }
0x3a: {  	_ = 	snop  }
0x3b: {  	_ = 	snop  }
0x3c: {  	p2 =	seq.s32 s10, $0x1;
	s10 =	sld [smem:$0x3FBA]  }
0x3d: {  	_ =	shalt  }
0x3e: {  	_ =	shalt  }
0x3f: {  	_ =	shalt  }
0x40: {  	_ =	shalt  }
0x41: {  	_ =	shalt  }
0x42: {  	_ =	shalt  }
0x43: {  	_ =	shalt  }
0x44: {  	_ =	shalt  }
0x45: {  	_ =	shalt  }
0x46: {  	_ =	shalt  }
0x47: {  	_ =	shalt  }
0x48: {  	_ =	shalt  }
0x49: {  	_ =	shalt  }
0x4a: {  	_ =	shalt  }
0x4b: {  	_ =	shalt  }
0x4c: {  	_ =	shalt  }
0x4d: {  	_ =	shalt  }
0x4e: {  	_ =	shalt  }
0x4f: {  	_ =	shalt  }
0x50: {  	_ =	shalt  }
0x51: {  	_ =	shalt  }
0x52: {  	_ =	shalt  }
0x53: {  	_ =	shalt  }
0x54: {  	_ =	shalt  }
0x55: {  	_ =	shalt  }
0x56: {  	_ =	shalt  }
0x57: {  	_ =	shalt  }
0x58: {  	_ =	shalt  }
0x59: {  	_ =	shalt  }
0x5a: {  	_ =	shalt  }
0x5b: {  	_ =	shalt  }
0x5c: {  	_ =	shalt  }
0x5d: {  	_ =	shalt  }
0x5e: {  	_ =	shalt  }
0x5f: {  	_ =	shalt  }
0x60: {  	_ =	shalt  }
0x61: {  	_ =	shalt  }
0x62: {  	_ =	shalt  }
0x63: {  	_ =	shalt  }
0x64: {  	_ =	shalt  }
0x65: {  	_ =	shalt  }
0x66: {  	_ =	shalt  }
0x67: {  	_ =	shalt  }
0x68: {  	_ =	shalt  }
0x69: {  	_ =	shalt  }
0x6a: {  	_ =	shalt  }
0x6b: {  	_ =	shalt  }
0x6c: {  	_ =	shalt  }
0x6d: {  	_ =	shalt  }
0x6e: {  	_ =	shalt  }
0x6f: {  	_ =	shalt  }
0x70: {  	_ =	shalt  }
0x71: {  	_ =	shalt  }
0x72: {  	_ =	shalt  }
0x73: {  	_ =	shalt  }
0x74: {  	_ =	shalt  }
0x75: {  	_ =	shalt  }
0x76: {  	_ =	shalt  }
0x77: {  	_ =	shalt  }
0x78: {  	_ =	shalt  }
0x79: {  	_ =	shalt  }
0x7a: {  	_ =	shalt  }
0x7b: {  	_ =	shalt  }
0x7c: {  	_ =	shalt  }
0x7d: {  	_ =	shalt  }
0x7e: {  	_ =	shalt  }
0x7f: {  	_ =	shalt  }
0x80: {  	_ =	shalt  }
0x81: {  	_ =	shalt  }
0x82: {  	_ =	shalt  }
0x83: {  	_ =	shalt  }
0x84: {  	_ =	shalt  }
0x85: {  	_ =	shalt  }
0x86: {  	_ =	shalt  }
0x87: {  	_ =	shalt  }
.Lfunc_end0:
.L_simem_size_0:
called_computation.1_lowered:
.L_overlay_start_0:
0x88: {  	s2 =	sld [smem:$0x3FD9]  }
0x89: {  	s3 =	sld [smem:$0x3FFE];
	_ =	sdelay $0x1  }
0x8a: {  	s1 =	srdreg.scid  }
0x8b: {  	s0 =	sand.u32 $0x1, s1  }
0x8c: {  	s17 =	sshll.u32 s0, $0xA;
	s2 =	sadd.s32 s3, s2  }
0x8d: {  	s2 =	sadd.s32 s2, s17  }
0x8e: {  	[smem:$0x3FC6] =	sst s2  }
0x8f: {  	_ = 	snop  }
0x90: {  	s2 =	sld [smem:$0x3FD0];
	(tm) =	ssettm $0x1  }
0x91: {  	s18 =	sld [smem:$0x3FFB];
	_ =	sdelay $0x3  }
0x92: {  	_ =	strace s18  }
0x93: {  	s3 =	sld [smem:$0x3FFC];
	_ =	sdelay $0x3  }
0x94: {  	_ =	strace s3  }
0x95: {  	s3 =	sld [smem:$0x3FFD];
	_ =	sdelay $0x3  }
0x96: {  	_ =	strace s3  }
0x97: {  	_ =	strace $0x8FFFFFFF  }
0x98: {  	s19 =	sld [smem:$0x3FDB];
	_ =	sdelay $0x1  }
0x99: {  	s4 =	simm.s32 $_scs_section_size  }
0x9a: {  	s5 =	simm.s32 $_size__tile_overlayer_lowered;
	s6 =	simm.s32 $_tile_overlayer_lowered  }
0x9b: {  	s22 =	simm.s32 $0x1BFF;
	s21 =	sshll.u32 s6, $0x1;
	s3 =	sadd.s32 s4, s19  }
0x9c: {  	s7 =	simm.s32 $0x0;
	s20 =	sshll.u32 s5, $0x1;
	s5 =	sadd.s32 s21, s3  }
0x9d: {  	[timem:s7], [sflag:s22] =	dma.local [hbm:s5], s20  }
0x9e: {  	_ =	swait.ge [sflag:s22], s20  }
0x9f: {  	s4 =	ssub.s32 $0x0, s20;
	[sflag:s22] =	ssyncset.done $0x0  }
0xa0: {  	[sflag:s22] =	ssyncadd.s32 s4;
	_ =	sdelay $0x1  }
0xa1: {  	s23 =	simm.s32 $0x1B8B  }
0xa2: {  	_ =	swait.ge [sflag:s23], $0x1  }
0xa3: {  	[sflag:s23] =	ssyncset.done $0x0  }
0xa4: {  	s25 =	simm.s32 $0x1B8E;
	s24 =	sld [smem:$0x3FFE];
	[sflag:s23] =	ssyncadd.s32 $0xFFFFFFFF  }
0xa5: {  	s26 =	simm.s32 $execute0_lowered;
	[smem:$0x3FD2] =	sst s25  }
0xa6: {  	s5 =	sshll.u32 s26, $0x1;
	_ =	strace $0x80000046;
	[dreg:$0x1] =	wrdreg $0xFFFFFFFF  }
0xa7: {  	s28 =	simm.s32 $_size_execute0_lowered;
	s3 =	sadd.s32 s3, s5;
	[dreg:$0x0] =	wrdreg $0x0  }
0xa8: {  	s5 =	sshll.u32 s28, $0x1;
	[dreg:$0x2] =	wrdreg s3  }
0xa9: {  	[dreg:$0x3] =	wrdreg s5  }
0xaa: {  	[dreg:$0x4] =	wrdreg $0xC0  }
0xab: {  	_ =	task [dreg:s7], $0x5FFFF  }
0xac: {  	[dreg:$0x1] =	wrdreg $0xFFFFFFFF  }
0xad: {  	[dreg:$0x0] =	wrdreg $0x60  }
0xae: {  	[dreg:$0x2] =	wrdreg s24  }
0xaf: {  	[dreg:$0x3] =	wrdreg s2  }
0xb0: {  	[dreg:$0x4] =	wrdreg $0x9  }
0xb1: {  	_ =	task.clear_ibuf [dreg:s7], $0x5FFFF;
	_ =	strace $0x90000046  }
0xb2: {  	s29 =	simm.s32 $0x9;
	_ =	strace $0x80000048  }
0xb3: {  	_ =	swait.ge [sflag:s29], $0x1  }
0xb4: {  	[sflag:s29] =	ssyncadd.s32 $0xFFFFFFFF  }
0xb5: {  	_ =	strace $0x90000048  }
0xb6: {  	_ =	sfence  }
0xb7: {  	s30 =	sld [smem:$0x0];
	_ =	sdelay $0x2  }
0xb8: {  	s31 =	sshll.u32 s1, $0xD;
	s1 =	sshrl.u32 s1, $0x2  }
0xb9: {  	s3 =	sand.u32 $0x4000, s31;
	s1 =	sadd.s32 s1, s30  }
0xba: {  	s0 =	sor.u32 s3, s0;
	s1 =	sshll.u32 s1, $0x11  }
0xbb: {  	s0 =	sor.u32 s1, s0  }
0xbc: {  	s0 =	sadd.s32 $0x8F2B, s0  }
0xbd: {  	[sflag:s0] =	ssyncadd.remote.s32 $0x1  }
0xbe: {  	_ =	sfence.sel $0xFFFF  }
0xbf: {  	[dreg:$0x0] =	wrdreg $0xFFFFFFFF;
	(pc) =	sbr.abs _section_cstart, $3  }
0xc0: {  	[dreg:$0x1] =	wrdreg $0xFFFFFFFF  }
0xc1: {  	_ =	task.clear_ibuf [dreg:s7], $0x2FFFF;
	_ =	strace $0x9FFFFFFF  }
0xc2: {  	(tm) =	ssettm $0x7FFFFFFF  }
0xc3: {  	_ =	shalt  }
tec
execute0_lowered:
.L_overlay_start_1:
0x0: {  	(tag) =	ssettag $0x1  }
0x1: {  	s0 =	srdreg.scid;
	s1 =	rddreg [dreg:$0x0]  }
0x2: {  	s9 =	stileid.u32;
	s10 =	rddreg [dreg:$0x1]  }
0x3: {  	s3 =	simm.s32 $0x0;
	s29 =	simm.s32 $0x6;
	s6 =	smul.u32 $0x190, s9  }
0x4: {  	s31 =	simm.s32 $0x7;
	s0 =	sand.u32 $0x1, s0;
	s24 =	smul.u32 $0x64000, s9  }
0x5: {  	s11 =	simm.s32 $0xD;
	s2 =	sshll.u32 s9, $0x1;
	s8 =	smul.u32 $0xC8, s0  }
0x6: {  	s2 =	sor.u32 s0, s2;
	s16 =	ssub.s32 $0x2, s0;
	s0 =	smul.u32 $0x32000, s0  }
0x7: {  	s12 =	simm.s32 $0xE;
	s13 =	simm.s32 $0xF;
	s4 =	smul.u32 $0xC80, s2  }
0x8: {  	s14 =	simm.s32 $0x10;
	[smem:$0x7FF] =	sst s3;
	s2 =	smul.u32 $0x190000, s2  }
0x9: {  	_ =	strace $0x80000047;
	s7 =	sshrl.u32 s16, $0x1;
	s0 =	sadd.s32 s0, s24  }
0xa: {  	s5 =	sadd.s32 s4, s1;
	s4 =	sadd.s32 $0xF42E00, s1;
	s2 =	sshrl.u32 s2, $0x3  }
0xb: {  	s1 =	ssub.s32 s16, s7;
	[dreg:$0x6] =	wrdreg s0;
	s5 =	sadd.s32 $0xA00, s5  }
0xc: {  	s2 =	sadd.s32 s10, s2;
	s1 =	smax.u32 s1, $0x1;
	[dreg:$0x7] =	wrdreg s5  }
0xd: {  	s9 =	simm.s32 $0xC;
	s17 =	sadd.s32 $0x30000, s2;
	[dreg:$0x10] =	wrdreg s1  }
0xe: {  	s19 =	sadd.s32 s8, s6;
	s18 =	sadd.s32 $0x30400, s2;
	[dreg:$0x8] =	wrdreg s17  }
0xf: {  	s24 =	simm.s32 $0x4;
	s20 =	sadd.s32 $0x30800, s2;
	[dreg:$0x9] =	wrdreg s18  }
0x10: {  	s6 =	simm.s32 $0x9;
	s21 =	sadd.s32 $0x30C00, s2;
	[dreg:$0xa] =	wrdreg s20  }
0x11: {  	s8 =	simm.s32 $0xB;
	s22 =	sadd.s32 $0x31000, s2;
	[dreg:$0xb] =	wrdreg s21  }
0x12: {  	s7 =	simm.s32 $0xA;
	s26 =	sadd.s32 $0x31400, s2;
	[dreg:$0xc] =	wrdreg s22  }
0x13: {  	s0 =	simm.s32 $0x0;
	s30 =	sadd.s32 $0x31800, s2;
	[dreg:$0xd] =	wrdreg s26  }
0x14: {  	s2 =	sadd.s32 $0x31C00, s2;
	s18 =	sshll.u32 s19, $0xA;
	[dreg:$0xe] =	wrdreg s30  }
0x15: {  	s5 =	simm.s32 $0x8;
	[dreg:$0xf] =	wrdreg s2;
	s23 =	sor.u32 $0x1800, s18  }
0x16: {  	s17 =	simm.s32 $0x80;
	s25 =	sor.u32 $0x1000, s18;
	[dreg:$0x3] =	wrdreg s23  }
0x17: {  	s22 =	simm.s32 $0x3;
	s28 =	sor.u32 $0x800, s18;
	[dreg:$0x4] =	wrdreg s25  }
0x18: {  	s26 =	simm.s32 $0x5;
	s20 =	simm.s32 $0x14400;
	[dreg:$0x5] =	wrdreg s28  }
.LBB2_1:
0x19: {  	[dreg:$0x11] =	wrdreg s0  }
0x1a: {  	s2 =	rddreg [dreg:$0x7];
	s28 =	simm.s32 $0x11  }
0x1b: {  	[tilespmem:s3], [sflag:$0x11] =	stream.linear.gather [hbm4b:s2+s3], $0x6400, $0x38;
	[tilespmem:$0x16400] =	vst v63  }
0x1c: {  	_ =	swait.ge [sflag:s28], $0x6400  }
0x1d: {  	[sflag:s28] =	ssyncset.done $0x0  }
0x1e: {  	s16 =	simm.s32 $0x6400;
	[sflag:s28] =	ssyncadd.s32 $0xFFFF9C00  }
0x1f: {  	[tilespmem:s16], [sflag:$0x1] =	stream.indirect.gather [hbm4b:s4+s17], $0x40, s3, s17, $0xb8;
	[tilespmem:$0x16400] =	vst v63  }
0x20: {  	s19 =	simm.s32 $0x8400  }
0x21: {  	[tilespmem:s19], [sflag:$0x2] =	stream.indirect.gather [hbm4b:s4+s17], $0x40, s17, s17, $0xb8;
	[tilespmem:$0x16400] =	vst v63  }
0x22: {  	s30 =	simm.s32 $0x100;
	s21 =	simm.s32 $0xA400  }
0x23: {  	[tilespmem:s21], [sflag:$0x3] =	stream.indirect.gather [hbm4b:s4+s17], $0x40, s30, s17, $0xb8;
	[tilespmem:$0x16400] =	vst v63  }
0x24: {  	s0 =	simm.s32 $0x180;
	s23 =	simm.s32 $0xC400  }
0x25: {  	[tilespmem:s23], [sflag:$0x4] =	stream.indirect.gather [hbm4b:s4+s17], $0x40, s0, s17, $0xb8;
	[tilespmem:$0x16400] =	vst v63  }
0x26: {  	s1 =	simm.s32 $0x200;
	s25 =	simm.s32 $0xE400  }
0x27: {  	[tilespmem:s25], [sflag:$0x5] =	stream.indirect.gather [hbm4b:s4+s17], $0x40, s1, s17, $0xb8;
	[tilespmem:$0x16400] =	vst v63  }
0x28: {  	s10 =	simm.s32 $0x280;
	s28 =	simm.s32 $0x10400  }
0x29: {  	[tilespmem:s28], [sflag:$0x6] =	stream.indirect.gather [hbm4b:s4+s17], $0x40, s10, s17, $0xb8;
	[tilespmem:$0x16400] =	vst v63  }
0x2a: {  	s30 =	simm.s32 $0x12400;
	s1 =	simm.s32 $0x300  }
0x2b: {  	[tilespmem:s30], [sflag:$0x7] =	stream.indirect.gather [hbm4b:s4+s17], $0x40, s1, s17, $0xb8;
	[tilespmem:$0x16400] =	vst v63  }
0x2c: {  	s15 =	simm.s32 $0x380;
	s2 =	simm.s32 $0x1;
	s1 =	simm.s32 $0x14400  }
0x2d: {  	[tilespmem:s1], [sflag:$0x8] =	stream.indirect.gather [hbm4b:s4+s17], $0x40, s15, s17, $0xb8;
	[tilespmem:$0x16400] =	vst v63  }
0x2e: {  	_ =	swait.ge [sflag:s2], $0x2000  }
0x2f: {  	[sflag:s2] =	ssyncset.done $0x0  }
0x30: {  	s10 =	rddreg [dreg:$0x6];
	[sflag:s2] =	ssyncadd.s32 $0xFFFFE000  }
0x31: {  	s15 =	rddreg [dreg:$0x1]  }
0x32: {  	s2 =	sadd.s32 s15, s10;
	s10 =	simm.s32 $0x2  }
0x33: {  	[hbm4b:s2+s3] =	stream.linear.scatter [tilespmem:s16], [sflag:$0x9], $0x2000, $0x38;
	[tilespmem:$0x16400] =	vst v63  }
0x34: {  	_ =	swait.ge [sflag:s10], $0x2000  }
0x35: {  	s2 =	sadd.s32 s15, s18;
	[sflag:s10] =	ssyncset.done $0x0  }
0x36: {  	[sflag:s10] =	ssyncadd.s32 $0xFFFFE000;
	s10 =	sadd.s32 $0x400, s2  }
0x37: {  	[hbm4b:s10+s3] =	stream.linear.scatter [tilespmem:s19], [sflag:$0xA], $0x2000, $0x38;
	[tilespmem:$0x16400] =	vst v63  }
0x38: {  	_ =	swait.ge [sflag:s22], $0x2000  }
0x39: {  	s0 =	rddreg [dreg:$0x5];
	[sflag:s22] =	ssyncset.done $0x0  }
0x3a: {  	[sflag:s22] =	ssyncadd.s32 $0xFFFFE000;
	s10 =	sadd.s32 s15, s0  }
0x3b: {  	[hbm4b:s10+s3] =	stream.linear.scatter [tilespmem:s21], [sflag:$0xB], $0x2000, $0x38;
	[tilespmem:$0x16400] =	vst v63  }
0x3c: {  	_ =	swait.ge [sflag:s24], $0x2000  }
0x3d: {  	[sflag:s24] =	ssyncset.done $0x0  }
0x3e: {  	s0 =	sadd.s32 $0xC00, s2;
	[sflag:s24] =	ssyncadd.s32 $0xFFFFE000  }
0x3f: {  	[hbm4b:s0+s3] =	stream.linear.scatter [tilespmem:s23], [sflag:$0xC], $0x2000, $0x38;
	[tilespmem:$0x16400] =	vst v63  }
0x40: {  	_ =	swait.ge [sflag:s26], $0x2000  }
0x41: {  	s0 =	rddreg [dreg:$0x4];
	[sflag:s26] =	ssyncset.done $0x0  }
0x42: {  	[sflag:s26] =	ssyncadd.s32 $0xFFFFE000;
	s10 =	sadd.s32 s15, s0  }
0x43: {  	[hbm4b:s10+s3] =	stream.linear.scatter [tilespmem:s25], [sflag:$0xD], $0x2000, $0x38;
	[tilespmem:$0x16400] =	vst v63  }
0x44: {  	_ =	swait.ge [sflag:s29], $0x2000  }
0x45: {  	[sflag:s29] =	ssyncset.done $0x0  }
0x46: {  	s0 =	sadd.s32 $0x1400, s2;
	[sflag:s29] =	ssyncadd.s32 $0xFFFFE000  }
0x47: {  	[hbm4b:s0+s3] =	stream.linear.scatter [tilespmem:s28], [sflag:$0xE], $0x2000, $0x38;
	[tilespmem:$0x16400] =	vst v63  }
0x48: {  	_ =	swait.ge [sflag:s31], $0x2000  }
0x49: {  	s0 =	rddreg [dreg:$0x3];
	[sflag:s31] =	ssyncset.done $0x0  }
0x4a: {  	[sflag:s31] =	ssyncadd.s32 $0xFFFFE000;
	s10 =	sadd.s32 s15, s0  }
0x4b: {  	[hbm4b:s10+s3] =	stream.linear.scatter [tilespmem:s30], [sflag:$0xF], $0x2000, $0x38;
	[tilespmem:$0x16400] =	vst v63  }
0x4c: {  	_ =	swait.ge [sflag:s5], $0x2000  }
0x4d: {  	[sflag:s5] =	ssyncset.done $0x0  }
0x4e: {  	s2 =	sadd.s32 $0x1C00, s2;
	[sflag:s5] =	ssyncadd.s32 $0xFFFFE000  }
0x4f: {  	[hbm4b:s2+s3] =	stream.linear.scatter [tilespmem:s1], [sflag:$0x10], $0x2000, $0x38;
	[tilespmem:$0x16400] =	vst v63  }
0x50: {  	_ =	swait.ge [sflag:s6], $0x2000  }
0x51: {  	[sflag:s6] =	ssyncset.done $0x0  }
0x52: {  	s10 =	simm.s32 $0x400;
	[sflag:s6] =	ssyncadd.s32 $0xFFFFE000  }
0x53: {  	[tilespmem:s16], [sflag:$0x1] =	stream.indirect.gather [hbm4b:s4+s17], $0x40, s10, s17, $0xb8;
	[tilespmem:$0x16400] =	vst v63  }
0x54: {  	_ =	swait.ge [sflag:s7], $0x2000  }
0x55: {  	[sflag:s7] =	ssyncset.done $0x0  }
0x56: {  	s16 =	simm.s32 $0x480;
	[sflag:s7] =	ssyncadd.s32 $0xFFFFE000  }
0x57: {  	[tilespmem:s19], [sflag:$0x2] =	stream.indirect.gather [hbm4b:s4+s17], $0x40, s16, s17, $0xb8;
	[tilespmem:$0x16400] =	vst v63  }
0x58: {  	_ =	swait.ge [sflag:s8], $0x2000  }
0x59: {  	[sflag:s8] =	ssyncset.done $0x0  }
0x5a: {  	s19 =	simm.s32 $0x500;
	[sflag:s8] =	ssyncadd.s32 $0xFFFFE000  }
0x5b: {  	[tilespmem:s21], [sflag:$0x3] =	stream.indirect.gather [hbm4b:s4+s17], $0x40, s19, s17, $0xb8;
	[tilespmem:$0x16400] =	vst v63  }
0x5c: {  	_ =	swait.ge [sflag:s9], $0x2000  }
0x5d: {  	[sflag:s9] =	ssyncset.done $0x0  }
0x5e: {  	s21 =	simm.s32 $0x580;
	[sflag:s9] =	ssyncadd.s32 $0xFFFFE000  }
0x5f: {  	[tilespmem:s23], [sflag:$0x4] =	stream.indirect.gather [hbm4b:s4+s17], $0x40, s21, s17, $0xb8;
	[tilespmem:$0x16400] =	vst v63  }
0x60: {  	_ =	swait.ge [sflag:s11], $0x2000  }
0x61: {  	[sflag:s11] =	ssyncset.done $0x0  }
0x62: {  	s23 =	simm.s32 $0x600;
	[sflag:s11] =	ssyncadd.s32 $0xFFFFE000  }
0x63: {  	[tilespmem:s25], [sflag:$0x5] =	stream.indirect.gather [hbm4b:s4+s17], $0x40, s23, s17, $0xb8;
	[tilespmem:$0x16400] =	vst v63  }
0x64: {  	_ =	swait.ge [sflag:s12], $0x2000  }
0x65: {  	[sflag:s12] =	ssyncset.done $0x0  }
0x66: {  	s25 =	simm.s32 $0x680;
	[sflag:s12] =	ssyncadd.s32 $0xFFFFE000  }
0x67: {  	[tilespmem:s28], [sflag:$0x6] =	stream.indirect.gather [hbm4b:s4+s17], $0x40, s25, s17, $0xb8;
	[tilespmem:$0x16400] =	vst v63  }
0x68: {  	_ =	swait.ge [sflag:s13], $0x2000  }
0x69: {  	[sflag:s13] =	ssyncset.done $0x0  }
0x6a: {  	s28 =	simm.s32 $0x700;
	[sflag:s13] =	ssyncadd.s32 $0xFFFFE000  }
0x6b: {  	[tilespmem:s30], [sflag:$0x7] =	stream.indirect.gather [hbm4b:s4+s17], $0x40, s28, s17, $0xb8;
	[tilespmem:$0x16400] =	vst v63  }
0x6c: {  	_ =	swait.ge [sflag:s14], $0x2000  }
0x6d: {  	s2 =	sadd.s32 $0x2000, s15;
	[sflag:s14] =	ssyncset.done $0x0  }
0x6e: {  	s10 =	simm.s32 $0x780;
	s16 =	simm.s32 $0x1000;
	[sflag:s14] =	ssyncadd.s32 $0xFFFFE000  }
.LBB2_2:
0x6f: {  	[tilespmem:s20], [sflag:$0x8] =	stream.indirect.gather [hbm4b:s4+s17], $0x40, s10, s17, $0xb8;
	[tilespmem:$0x16400] =	vst v63  }
0x70: {  	s0 =	simm.s32 $0x1  }
0x71: {  	_ =	swait.ge [sflag:s0], $0x2000  }
0x72: {  	s21 =	simm.s32 $0x6400;
	s23 =	rddreg [dreg:$0x6];
	[sflag:s0] =	ssyncset.done $0x0  }
0x73: {  	s25 =	simm.s32 $0x2;
	[sflag:s0] =	ssyncadd.s32 $0xFFFFE000;
	s10 =	sadd.s32 s2, s23  }
0x74: {  	[hbm4b:s10+s3] =	stream.linear.scatter [tilespmem:s21], [sflag:$0x9], $0x2000, $0x38;
	[tilespmem:$0x16400] =	vst v63  }
0x75: {  	_ =	swait.ge [sflag:s25], $0x2000  }
0x76: {  	s10 =	sadd.s32 s2, s18;
	[sflag:s25] =	ssyncset.done $0x0  }
0x77: {  	s23 =	simm.s32 $0x8400;
	s1 =	sadd.s32 $0x400, s10;
	[sflag:s25] =	ssyncadd.s32 $0xFFFFE000  }
0x78: {  	[hbm4b:s1+s3] =	stream.linear.scatter [tilespmem:s23], [sflag:$0xA], $0x2000, $0x38;
	[tilespmem:$0x16400] =	vst v63  }
0x79: {  	_ =	swait.ge [sflag:s22], $0x2000  }
0x7a: {  	s19 =	smov.u32 s18;
	s25 =	rddreg [dreg:$0x5];
	[sflag:s22] =	ssyncset.done $0x0  }
0x7b: {  	[sflag:s22] =	ssyncadd.s32 $0xFFFFE000;
	s18 =	sadd.s32 s2, s25;
	s25 =	simm.s32 $0xA400  }
0x7c: {  	[hbm4b:s18+s3] =	stream.linear.scatter [tilespmem:s25], [sflag:$0xB], $0x2000, $0x38;
	[tilespmem:$0x16400] =	vst v63  }
0x7d: {  	_ =	swait.ge [sflag:s24], $0x2000  }
0x7e: {  	[sflag:s24] =	ssyncset.done $0x0  }
0x7f: {  	s28 =	simm.s32 $0xC400;
	s0 =	sadd.s32 $0xC00, s10;
	[sflag:s24] =	ssyncadd.s32 $0xFFFFE000  }
0x80: {  	[hbm4b:s0+s3] =	stream.linear.scatter [tilespmem:s28], [sflag:$0xC], $0x2000, $0x38;
	[tilespmem:$0x16400] =	vst v63  }
0x81: {  	_ =	swait.ge [sflag:s26], $0x2000  }
0x82: {  	s1 =	rddreg [dreg:$0x4];
	[sflag:s26] =	ssyncset.done $0x0  }
0x83: {  	s30 =	simm.s32 $0xE400;
	[sflag:s26] =	ssyncadd.s32 $0xFFFFE000;
	s18 =	sadd.s32 s2, s1  }
0x84: {  	[hbm4b:s18+s3] =	stream.linear.scatter [tilespmem:s30], [sflag:$0xD], $0x2000, $0x38;
	[tilespmem:$0x16400] =	vst v63  }
0x85: {  	_ =	swait.ge [sflag:s29], $0x2000  }
0x86: {  	[sflag:s29] =	ssyncset.done $0x0  }
0x87: {  	s0 =	sadd.s32 $0x1400, s10;
	s1 =	simm.s32 $0x10400;
	[sflag:s29] =	ssyncadd.s32 $0xFFFFE000  }
0x88: {  	[hbm4b:s0+s3] =	stream.linear.scatter [tilespmem:s1], [sflag:$0xE], $0x2000, $0x38;
	[tilespmem:$0x16400] =	vst v63  }
0x89: {  	_ =	swait.ge [sflag:s31], $0x2000  }
0x8a: {  	s0 =	rddreg [dreg:$0x3];
	[sflag:s31] =	ssyncset.done $0x0  }
0x8b: {  	[sflag:s31] =	ssyncadd.s32 $0xFFFFE000;
	s18 =	sadd.s32 s2, s0;
	s0 =	simm.s32 $0x12400  }
0x8c: {  	[hbm4b:s18+s3] =	stream.linear.scatter [tilespmem:s0], [sflag:$0xF], $0x2000, $0x38;
	[tilespmem:$0x16400] =	vst v63  }
0x8d: {  	_ =	swait.ge [sflag:s5], $0x2000  }
0x8e: {  	[sflag:s5] =	ssyncset.done $0x0  }
0x8f: {  	s10 =	sadd.s32 $0x1C00, s10;
	[sflag:s5] =	ssyncadd.s32 $0xFFFFE000  }
0x90: {  	[hbm4b:s10+s3] =	stream.linear.scatter [tilespmem:s20], [sflag:$0x10], $0x2000, $0x38;
	[tilespmem:$0x16400] =	vst v63  }
0x91: {  	s15 =	smov.u32 s16;
	_ =	swait.ge [sflag:s6], $0x2000  }
0x92: {  	s10 =	sshra.s32 s15, $0x2;
	[sflag:s6] =	ssyncset.done $0x0  }
0x93: {  	s15 =	sadd.s32 $0x400, s10;
	[sflag:s6] =	ssyncadd.s32 $0xFFFFE000  }
0x94: {  	[tilespmem:s21], [sflag:$0x1] =	stream.indirect.gather [hbm4b:s4+s17], $0x40, s15, s17, $0xb8;
	[tilespmem:$0x16400] =	vst v63  }
0x95: {  	_ =	swait.ge [sflag:s7], $0x2000  }
0x96: {  	[sflag:s7] =	ssyncset.done $0x0  }
0x97: {  	s15 =	sadd.s32 $0x480, s10;
	[sflag:s7] =	ssyncadd.s32 $0xFFFFE000  }
0x98: {  	[tilespmem:s23], [sflag:$0x2] =	stream.indirect.gather [hbm4b:s4+s17], $0x40, s15, s17, $0xb8;
	[tilespmem:$0x16400] =	vst v63  }
0x99: {  	_ =	swait.ge [sflag:s8], $0x2000  }
0x9a: {  	[sflag:s8] =	ssyncset.done $0x0  }
0x9b: {  	s15 =	sadd.s32 $0x500, s10;
	[sflag:s8] =	ssyncadd.s32 $0xFFFFE000  }
0x9c: {  	[tilespmem:s25], [sflag:$0x3] =	stream.indirect.gather [hbm4b:s4+s17], $0x40, s15, s17, $0xb8;
	[tilespmem:$0x16400] =	vst v63  }
0x9d: {  	_ =	swait.ge [sflag:s9], $0x2000  }
0x9e: {  	[sflag:s9] =	ssyncset.done $0x0  }
0x9f: {  	s15 =	sadd.s32 $0x580, s10;
	[sflag:s9] =	ssyncadd.s32 $0xFFFFE000  }
0xa0: {  	[tilespmem:s28], [sflag:$0x4] =	stream.indirect.gather [hbm4b:s4+s17], $0x40, s15, s17, $0xb8;
	[tilespmem:$0x16400] =	vst v63  }
0xa1: {  	_ =	swait.ge [sflag:s11], $0x2000  }
0xa2: {  	[sflag:s11] =	ssyncset.done $0x0  }
0xa3: {  	s15 =	sadd.s32 $0x600, s10;
	[sflag:s11] =	ssyncadd.s32 $0xFFFFE000  }
0xa4: {  	[tilespmem:s30], [sflag:$0x5] =	stream.indirect.gather [hbm4b:s4+s17], $0x40, s15, s17, $0xb8;
	[tilespmem:$0x16400] =	vst v63  }
0xa5: {  	_ =	swait.ge [sflag:s12], $0x2000  }
0xa6: {  	p0 =	sne.s32 s16, $0x17000;
	[sflag:s12] =	ssyncset.done $0x0  }
0xa7: {  	s16 =	sadd.s32 $0x1000, s16;
	s15 =	sadd.s32 $0x680, s10;
	[sflag:s12] =	ssyncadd.s32 $0xFFFFE000  }
0xa8: {  	[tilespmem:s1], [sflag:$0x6] =	stream.indirect.gather [hbm4b:s4+s17], $0x40, s15, s17, $0xb8;
	[tilespmem:$0x16400] =	vst v63  }
0xa9: {  	s2 =	sadd.s32 $0x2000, s2;
	s18 =	smov.u32 s19;
	_ =	swait.ge [sflag:s13], $0x2000  }
0xaa: {  	s19 =	simm.s32 $0x6400;
	s21 =	simm.s32 $0x8400;
	[sflag:s13] =	ssyncset.done $0x0  }
.Ltmp0:
0xab: {  	s15 =	sadd.s32 $0x700, s10;
	[sflag:s13] =	ssyncadd.s32 $0xFFFFE000;
	(pc) =	sbr.rel @p0 .LBB2_2-.Ltmp0, $4  }
0xac: {  	[tilespmem:s0], [sflag:$0x7] =	stream.indirect.gather [hbm4b:s4+s17], $0x40, s15, s17, $0xb8;
	[tilespmem:$0x16400] =	vst v63  }
0xad: {  	s23 =	simm.s32 $0xA400;
	s25 =	simm.s32 $0xC400;
	_ =	swait.ge [sflag:s14], $0x2000  }
0xae: {  	s28 =	simm.s32 $0xE400;
	s30 =	simm.s32 $0x10400;
	[sflag:s14] =	ssyncset.done $0x0  }
0xaf: {  	s1 =	simm.s32 $0x12400;
	s10 =	sadd.s32 $0x780, s10;
	[sflag:s14] =	ssyncadd.s32 $0xFFFFE000  }
0xb0: {  	s0 =	simm.s32 $0x14400;
	s2 =	simm.s32 $0x1  }
0xb1: {  	[tilespmem:s0], [sflag:$0x8] =	stream.indirect.gather [hbm4b:s4+s17], $0x40, s10, s17, $0xb8;
	[tilespmem:$0x16400] =	vst v63  }
0xb2: {  	_ =	swait.ge [sflag:s2], $0x2000  }
0xb3: {  	[sflag:s2] =	ssyncset.done $0x0  }
0xb4: {  	s16 =	rddreg [dreg:$0x8];
	[sflag:s2] =	ssyncadd.s32 $0xFFFFE000  }
0xb5: {  	[hbm4b:s16+s3] =	stream.linear.scatter [tilespmem:s19], [sflag:$0x9], $0x2000, $0x38;
	[tilespmem:$0x16400] =	vst v63  }
0xb6: {  	s19 =	simm.s32 $0x2  }
0xb7: {  	_ =	swait.ge [sflag:s19], $0x2000  }
0xb8: {  	[sflag:s19] =	ssyncset.done $0x0  }
0xb9: {  	s10 =	rddreg [dreg:$0x9];
	[sflag:s19] =	ssyncadd.s32 $0xFFFFE000  }
0xba: {  	[hbm4b:s10+s3] =	stream.linear.scatter [tilespmem:s21], [sflag:$0xA], $0x2000, $0x38;
	[tilespmem:$0x16400] =	vst v63  }
0xbb: {  	_ =	swait.ge [sflag:s22], $0x2000  }
0xbc: {  	[sflag:s22] =	ssyncset.done $0x0  }
0xbd: {  	s15 =	rddreg [dreg:$0xa];
	[sflag:s22] =	ssyncadd.s32 $0xFFFFE000  }
0xbe: {  	[hbm4b:s15+s3] =	stream.linear.scatter [tilespmem:s23], [sflag:$0xB], $0x2000, $0x38;
	[tilespmem:$0x16400] =	vst v63  }
0xbf: {  	_ =	swait.ge [sflag:s24], $0x2000  }
0xc0: {  	[sflag:s24] =	ssyncset.done $0x0  }
0xc1: {  	s16 =	rddreg [dreg:$0xb];
	[sflag:s24] =	ssyncadd.s32 $0xFFFFE000  }
0xc2: {  	[hbm4b:s16+s3] =	stream.linear.scatter [tilespmem:s25], [sflag:$0xC], $0x2000, $0x38;
	[tilespmem:$0x16400] =	vst v63  }
0xc3: {  	_ =	swait.ge [sflag:s26], $0x2000  }
0xc4: {  	[sflag:s26] =	ssyncset.done $0x0  }
0xc5: {  	s19 =	rddreg [dreg:$0xc];
	[sflag:s26] =	ssyncadd.s32 $0xFFFFE000  }
0xc6: {  	[hbm4b:s19+s3] =	stream.linear.scatter [tilespmem:s28], [sflag:$0xD], $0x2000, $0x38;
	[tilespmem:$0x16400] =	vst v63  }
0xc7: {  	_ =	swait.ge [sflag:s29], $0x2000  }
0xc8: {  	[sflag:s29] =	ssyncset.done $0x0  }
0xc9: {  	s21 =	rddreg [dreg:$0xd];
	[sflag:s29] =	ssyncadd.s32 $0xFFFFE000  }
0xca: {  	[hbm4b:s21+s3] =	stream.linear.scatter [tilespmem:s30], [sflag:$0xE], $0x2000, $0x38;
	[tilespmem:$0x16400] =	vst v63  }
0xcb: {  	_ =	swait.ge [sflag:s31], $0x2000  }
0xcc: {  	[sflag:s31] =	ssyncset.done $0x0  }
0xcd: {  	s23 =	rddreg [dreg:$0xe];
	[sflag:s31] =	ssyncadd.s32 $0xFFFFE000  }
0xce: {  	[hbm4b:s23+s3] =	stream.linear.scatter [tilespmem:s1], [sflag:$0xF], $0x2000, $0x38;
	[tilespmem:$0x16400] =	vst v63  }
0xcf: {  	_ =	swait.ge [sflag:s5], $0x2000  }
0xd0: {  	[sflag:s5] =	ssyncset.done $0x0  }
0xd1: {  	s25 =	rddreg [dreg:$0xf];
	[sflag:s5] =	ssyncadd.s32 $0xFFFFE000  }
0xd2: {  	[hbm4b:s25+s3] =	stream.linear.scatter [tilespmem:s0], [sflag:$0x10], $0x2000, $0x38;
	[tilespmem:$0x16400] =	vst v63  }
0xd3: {  	_ =	swait.ge [sflag:s6], $0x2000  }
0xd4: {  	[sflag:s6] =	ssyncset.done $0x0  }
0xd5: {  	[sflag:s6] =	ssyncadd.s32 $0xFFFFE000  }
0xd6: {  	_ =	swait.ge [sflag:s7], $0x2000  }
0xd7: {  	[sflag:s7] =	ssyncset.done $0x0  }
0xd8: {  	[sflag:s7] =	ssyncadd.s32 $0xFFFFE000  }
0xd9: {  	_ =	swait.ge [sflag:s8], $0x2000  }
0xda: {  	[sflag:s8] =	ssyncset.done $0x0  }
0xdb: {  	[sflag:s8] =	ssyncadd.s32 $0xFFFFE000  }
0xdc: {  	_ =	swait.ge [sflag:s9], $0x2000  }
0xdd: {  	[sflag:s9] =	ssyncset.done $0x0  }
0xde: {  	[sflag:s9] =	ssyncadd.s32 $0xFFFFE000  }
0xdf: {  	_ =	swait.ge [sflag:s11], $0x2000  }
0xe0: {  	[sflag:s11] =	ssyncset.done $0x0  }
0xe1: {  	[sflag:s11] =	ssyncadd.s32 $0xFFFFE000  }
0xe2: {  	_ =	swait.ge [sflag:s12], $0x2000  }
0xe3: {  	[sflag:s12] =	ssyncset.done $0x0  }
0xe4: {  	[sflag:s12] =	ssyncadd.s32 $0xFFFFE000  }
0xe5: {  	_ =	swait.ge [sflag:s13], $0x2000  }
0xe6: {  	[sflag:s13] =	ssyncset.done $0x0  }
0xe7: {  	[sflag:s13] =	ssyncadd.s32 $0xFFFFE000  }
0xe8: {  	_ =	swait.ge [sflag:s14], $0x2000  }
0xe9: {  	s28 =	rddreg [dreg:$0x11]  }
0xea: {  	s30 =	rddreg [dreg:$0x10];
	s0 =	sadd.s32 $0x1, s28  }
0xeb: {  	p0 =	sne.s32 s0, s30  }
.Ltmp1:
0xec: {  	_ = 	snop;
	(pc) =	sbr.rel @p0 .LBB2_1-.Ltmp1, $3  }
0xed: {  	_ =	sdelay $0x1  }
0xee: {  	[sflag:s14] =	ssyncset.done $0x0  }
0xef: {  	[sflag:s14] =	ssyncadd.s32 $0xFFFFE000  }
0xf0: {  	_ =	sfence.sel $0x180000  }
0xf1: {  	[bflag:$0x0] =	sbarrier.arrive $0xFFFF  }
0xf2: {  	_ =	strace $0x90000047  }
0xf3: {  	s0 =	stileid.u32;
	[bflag:$0x2] =	sbarrier.arrive $0xFFFF  }
0xf4: {  	p0 =	sne.s32 s0, $0x0;
	s0 =	rddreg [dreg:$0x2]  }
0xf5: {  	s0 =	sadd.s32 @!p0 $0x100000, s0  }
0xf6: {  	[sflag:s0] =	ssyncadd.tile.s32 @!p0 $0x1;
	_ =	shalt  }
.Lfunc_end2:
_tile_overlayer_lowered:
.L_overlay_start_2:
0xf7: {  	(tag) =	ssettag $0x2  }
0xf8: {  	s0 =	rddreg [dreg:$0x0];
	s2 =	stileid.u32  }
0xf9: {  	s1 =	rddreg [dreg:$0x1];
	p0 =	sne.s32 s2, $0x0  }
0xfa: {  	s3 =	rddreg [dreg:$0x2];
	[bflag:$0x3] =	sbarrier.arrive $0xFFFF;
	s2 =	simm.s32 @!p0 $0x1C11  }
0xfb: {  	[timem:s3], [sflag:s2] =	dma.local @!p0 [hbm:s0], s1  }
0xfc: {  	s0 =	simm.s32 @!p0 $0x11  }
0xfd: {  	_ =	swait.ge @!p0 [sflag:s0], s1  }
0xfe: {  	s1 =	ssub.s32 @!p0 $0x0, s1;
	[sflag:s0] =	ssyncset.done @!p0 $0x0  }
0xff: {  	[sflag:s0] =	ssyncadd.s32 @!p0 s1  }
0x100: {  	[bflag:$0x3] =	sbarrier.arrive $0xFFFF  }
0x101: {  	_ =	shalt  }

// kernel: sparse-core-data-format-call.cloned.1.call-start
scs
called_computation_lowered:
.L_overlay_start_0:
0x0: {  	s2 =	sld [smem:$0x3FD9]  }
0x1: {  	s3 =	sld [smem:$0x3FFE];
	_ =	sdelay $0x1  }
0x2: {  	s1 =	srdreg.scid  }
0x3: {  	s0 =	sand.u32 $0x1, s1  }
0x4: {  	s18 =	sshll.u32 s0, $0xA;
	s2 =	sadd.s32 s3, s2  }
0x5: {  	s2 =	sadd.s32 s2, s18  }
0x6: {  	[smem:$0x3FC6] =	sst s2  }
0x7: {  	_ = 	snop  }
0x8: {  	s2 =	sld [smem:$0x3FD0];
	(tm) =	ssettm $0x1  }
0x9: {  	s19 =	sld [smem:$0x3FFB];
	_ =	sdelay $0x3  }
0xa: {  	_ =	strace s19  }
0xb: {  	s3 =	sld [smem:$0x3FFC];
	_ =	sdelay $0x3  }
0xc: {  	_ =	strace s3  }
0xd: {  	s3 =	sld [smem:$0x3FFD];
	_ =	sdelay $0x3  }
0xe: {  	_ =	strace s3  }
0xf: {  	_ =	strace $0x8FFFFFFF  }
0x10: {  	s20 =	sld [smem:$0x3FDB];
	_ =	sdelay $0x1  }
0x11: {  	s4 =	simm.s32 $_scs_section_size  }
0x12: {  	s5 =	simm.s32 $_size__tile_overlayer_lowered;
	s6 =	simm.s32 $_tile_overlayer_lowered  }
0x13: {  	s23 =	simm.s32 $0x1BFF;
	s22 =	sshll.u32 s6, $0x1;
	s3 =	sadd.s32 s4, s20  }
0x14: {  	s7 =	simm.s32 $0x0;
	s21 =	sshll.u32 s5, $0x1;
	s5 =	sadd.s32 s22, s3  }
0x15: {  	[timem:s7], [sflag:s23] =	dma.local [hbm:s5], s21  }
0x16: {  	_ =	swait.ge [sflag:s23], s21  }
0x17: {  	s4 =	ssub.s32 $0x0, s21;
	[sflag:s23] =	ssyncset.done $0x0  }
0x18: {  	[sflag:s23] =	ssyncadd.s32 s4;
	_ =	sdelay $0x1  }
0x19: {  	s24 =	simm.s32 $0x1B8B  }
0x1a: {  	_ =	swait.ge [sflag:s24], $0x1  }
0x1b: {  	[sflag:s24] =	ssyncset.done $0x0  }
0x1c: {  	s26 =	simm.s32 $0x1B8E;
	s25 =	sld [smem:$0x3FFE];
	[sflag:s24] =	ssyncadd.s32 $0xFFFFFFFF  }
0x1d: {  	s27 =	simm.s32 $execute0_lowered;
	[smem:$0x3FD2] =	sst s26  }
0x1e: {  	s5 =	sshll.u32 s27, $0x1;
	_ =	strace $0x80000049;
	[dreg:$0x1] =	wrdreg $0xFFFFFFFF  }
0x1f: {  	s28 =	simm.s32 $_size_execute0_lowered;
	s3 =	sadd.s32 s3, s5;
	[dreg:$0x0] =	wrdreg $0x0  }
0x20: {  	s5 =	sshll.u32 s28, $0x1;
	[dreg:$0x2] =	wrdreg s3  }
0x21: {  	[dreg:$0x3] =	wrdreg s5  }
0x22: {  	[dreg:$0x4] =	wrdreg $0xC0  }
0x23: {  	_ =	task [dreg:s7], $0x5FFFF  }
0x24: {  	[dreg:$0x1] =	wrdreg $0xFFFFFFFF  }
0x25: {  	[dreg:$0x0] =	wrdreg $0x60  }
0x26: {  	[dreg:$0x2] =	wrdreg s25  }
0x27: {  	[dreg:$0x3] =	wrdreg s2  }
0x28: {  	[dreg:$0x4] =	wrdreg $0x9  }
0x29: {  	_ =	task.clear_ibuf [dreg:s7], $0x5FFFF;
	_ =	strace $0x90000049  }
0x2a: {  	s29 =	simm.s32 $0x9;
	_ =	strace $0x8000004B  }
0x2b: {  	_ =	swait.ge [sflag:s29], $0x1  }
0x2c: {  	[sflag:s29] =	ssyncadd.s32 $0xFFFFFFFF  }
0x2d: {  	_ =	strace $0x9000004B  }
0x2e: {  	_ =	sfence  }
0x2f: {  	s30 =	sld [smem:$0x0];
	_ =	sdelay $0x2  }
0x30: {  	s31 =	sshll.u32 s1, $0xD;
	s1 =	sshrl.u32 s1, $0x2  }
0x31: {  	s3 =	sand.u32 $0x4000, s31;
	s1 =	sadd.s32 s1, s30  }
0x32: {  	s0 =	sor.u32 s3, s0;
	s1 =	sshll.u32 s1, $0x11  }
0x33: {  	s0 =	sor.u32 s1, s0  }
0x34: {  	s0 =	sadd.s32 $0x8F2B, s0  }
0x35: {  	[sflag:s0] =	ssyncadd.remote.s32 $0x1  }
0x36: {  	_ =	sfence.sel $0xFFFF  }
0x37: {  	[dreg:$0x0] =	wrdreg $0xFFFFFFFF;
	(pc) =	sbr.abs _section_cstart, $3  }
0x38: {  	[dreg:$0x1] =	wrdreg $0xFFFFFFFF  }
0x39: {  	_ =	task.clear_ibuf [dreg:s7], $0x2FFFF;
	_ =	strace $0x9FFFFFFF  }
0x3a: {  	(tm) =	ssettm $0x7FFFFFFF  }
0x3b: {  	_ =	shalt  }
tec
execute0_lowered:
.L_overlay_start_1:
0x0: {  	(tag) =	ssettag $0x1  }
0x1: {  	s0 =	srdreg.scid  }
0x2: {  	s1 =	sshll.u32 s0, $0x4  }
0x3: {  	s0 =	stileid.u32;
	s1 =	sand.u32 $0x10, s1  }
0x4: {  	s1 =	sor.u32 s0, s1  }
0x5: {  	s6 =	rddreg [dreg:$0x0];
	s4 =	simm.s32 $0x1;
	s2 =	sshll.u32 s1, $0x7  }
0x6: {  	s7 =	simm.s32 $0x2;
	s12 =	simm.s32 $0x0;
	s1 =	ssub.s32 $0x4000, s2  }
0x7: {  	s8 =	simm.s32 $0x20000;
	s13 =	simm.s32 $0x0;
	s3 =	sand.u32 $0xF80, s1  }
0x8: {  	s9 =	simm.s32 $0x0;
	s5 =	sshrl.u32 s1, $0xC;
	p0 =	sne.s32 s3, $0x0  }
.Ltmp0:
0x9: {  	s1 =	rddreg [dreg:$0x2];
	s4 =	simm.s32 @!p0 $0x0;
	(pc) =	sbr.rel .LBB1_1-.Ltmp0, $4  }
0xa: {  	s11 =	simm.s32 $0x0;
	s3 =	rddreg [dreg:$0x1];
	s5 =	sadd.s32 s4, s5  }
0xb: {  	_ =	strace $0x8000004A;
	s4 =	simm.s32 $0x1;
	s5 =	smul.u32 $0x32, s5  }
0xc: {  	s6 =	sadd.s32 $0xA00, s6;
	s10 =	smov.u32 s2;
	[sflag:s4] =	ssyncpa.u1 $0x0  }
0xd: {  	p0 =	por $0x0, $0x0;
	[sflag:s7] =	ssyncpa.u1 $0x0;
	s7 =	sor.u32 $0x1, s5  }
.LBB1_4:
0xe: {  	s16 =	sshll.u32 s13, $0x3;
	s17 =	sand.u32 $0x78, s13  }
0xf: {  	s30 =	sand.u32 $0x1F800, s13;
	s12 =	sshll.u32 s12, $0x11;
	s16 =	sand.u32 $0x3C00, s16  }
0x10: {  	[tilespmem:s15+$0x810 ss:$0x81] =	vst.msk $0xffff, v2;
	s31 =	sand.u32 $0x7, s13;
	s16 =	sor.u32 s17, s16;
	s17 =	sadd.s32 s3, s30  }
0x11: {  	[tilespmem:s15+$0x1020 ss:$0x81] =	vst.msk $0xffff, v0;
	s13 =	sshll.u32 s31, $0x12;
	s12 =	sadd.s32 s12, s17;
	s16 =	sshrl.u32 s16, $0x3  }
0x12: {  	[tilespmem:s15+$0x0 ss:$0x81] =	vst.msk $0xffff, v1;
	s13 =	sor.u32 $0x400, s13;
	s12 =	sadd.s32 s16, s12  }
0x13: {  	[hbm4b:s12+s13] =	stream.strided.scatter [tilespmem:s14], [sflag:$0x2], $0x2000, s8, s13, $0x20;
	[tilespmem:$0x8080] =	vst v63  }
.LBB1_5:
0x14: {  	s14 =	sadd.s32 $0x1, s9  }
0x15: {  	s12 =	sadd.s32 $0x1000, s10;
	s16 =	smov.u32 s10;
	p2 =	sgt.s32 s14, $0x31  }
0x16: {  	s16 =	smov.u32 @p2 s12  }
0x17: {  	s14 =	simm.s32 @p2 $0x0;
	p2 =	sgt.s32 s16, $0x3FFF  }
0x18: {  	s16 =	smov.u32 @p2 s2;
	p2 =	sne.s32 s11, s7  }
.Ltmp1:
0x19: {  	p1 =	slt.u32 s11, $0x2;
	(pc) =	sbr.rel @!p2 .LBB1_6-.Ltmp1, $4  }
0x1a: {  	s15 =	simm.s32 @!p1 $0x2  }
0x1b: {  	s13 =	smov.u32 s10;
	p0 =	por !p0, !p0;
	_ =	swait.ge @!p1 [sflag:s15], $0x2000  }
0x1c: {  	s12 =	smov.u32 s9;
	[sflag:s15] =	ssyncset.done @!p1 $0x0;
	s9 =	smov.u32 s14  }
0x1d: {  	s11 =	sadd.s32 $0x1, s11;
	[sflag:s15] =	ssyncadd.s32 @!p1 $0xFFFFE000;
	s10 =	smov.u32 s16  }
.LBB1_1:
0x1e: {  	p1 =	sge.u32 s11, s5  }
0x1f: {  	s14 =	sand.u32 @!p1 $0x1FFFFFF, s9  }
0x20: {  	s15 =	smulhi.u32 @!p1 $0x4924925, s14;
	_ =	sdelay $0x1  }
0x21: {  	s15 =	smul.u32 @!p1 $0x38, s15  }
0x22: {  	s16 =	sxor.u32 @!p1 $0xFFFFFFFF, s11;
	s17 =	smul.u32 @!p1 $0x380, s10  }
0x23: {  	s31 =	sadd.s32 $0xFFFFFFFF, s11;
	s16 =	sshll.u32 @!p1 s16, $0xD;
	s14 =	ssub.s32 @!p1 s14, s15  }
0x24: {  	s15 =	sand.u32 @!p1 $0x2000, s16;
	s16 =	sadd.s32 @!p1 s6, s17;
	s14 =	sshll.u32 @!p1 s14, $0x4  }
0x25: {  	s17 =	simm.s32 @!p1 $0x1C00;
	s14 =	sadd.s32 @!p1 s14, s16;
	s16 =	simm.s32 @!p1 $0x40  }
0x26: {  	[tilespmem:s15], [sflag:$0x1] =	stream.strided.gather @!p1 [hbm4b:s14+s16], $0x2000, s17, s16, $0x38;
	[tilespmem:$0x8080] =	vst v63  }
0x27: {  	p1 =	sge.u32 s31, s5  }
.Ltmp2:
0x28: {  	_ = 	snop;
	(pc) =	sbr.rel @p1 .LBB1_5-.Ltmp2, $1  }
0x29: {  	_ =	sdelay $0x3  }
0x2a: {  	s14 =	simm.s32 $0x1  }
0x2b: {  	_ =	swait.ge [sflag:s4], $0x2000;
	s14 =	simm.s32 @!p0 $0x0  }
0x2c: {  	[sflag:s4] =	ssyncset.done $0x0;
	s15 =	sshll.u32 s14, $0xD  }
0x2d: {  	[sflag:s4] =	ssyncadd.s32 $0xFFFFE000;
	s18 =	sor.u32 $0x20, s15  }
0x2e: {  	s14 =	smul.u32 $0x8100, s14;
	v3 =	vld [tilespmem:s18+$0x10]  }
0x2f: {  	s30 =	sand.u32 $0x1, s11;
	v2 =	vld [tilespmem:s18+$0xFFFFFFF0]  }
0x30: {  	s15 =	smul.u32 $0x8100, s30;
	s14 =	sshrl.u32 s14, $0x2;
	v0 =	vld [tilespmem:s18+$0x0]  }
0x31: {  	v1 =	vld [tilespmem:s18+$0xFFFFFFE0];
	s16 =	sor.u32 $0x4000, s14  }
0x32: {  	s31 =	sshrl.u32 s15, $0x2;
	s15 =	sadd.s32 $0x0, s16  }
0x33: {  	s17 =	simm.s32 $0x4;
	s18 =	sadd.s32 $0x40, s18;
	s14 =	sor.u32 $0x4000, s31;
	[tilespmem:s15+$0x1830 ss:$0x81] =	vst.msk $0xffff, v3  }
.LBB1_3:
0x34: {  	v3 =	vld [tilespmem:s18+$0x10];
	p1 =	sne.s32 s17, $0x1FC;
	[tilespmem:s15+$0x810 ss:$0x81] =	vst.msk $0xffff, v2;
	s19 =	smov.u32 s17;
	s17 =	sadd.s32 $0x4, s17  }
.Ltmp3:
0x35: {  	v2 =	vld [tilespmem:s18+$0xFFFFFFF0];
	[tilespmem:s15+$0x1020 ss:$0x81] =	vst.msk $0xffff, v0;
	(pc) =	sbr.rel @p1 .LBB1_3-.Ltmp3, $4  }
0x36: {  	v0 =	vld [tilespmem:s18+$0x0];
	[tilespmem:s15+$0x0 ss:$0x81] =	vst.msk $0xffff, v1  }
0x37: {  	s15 =	sshra.s32 s19, $0x2;
	v1 =	vld [tilespmem:s18+$0xFFFFFFE0]  }
0x38: {  	s15 =	sadd.s32 s15, s16  }
0x39: {  	s18 =	sadd.s32 $0x40, s18;
	[tilespmem:s15+$0x1830 ss:$0x81] =	vst.msk $0xffff, v3  }
.Ltmp4:
0x3a: {  	_ = 	snop;
	(pc) =	sbr.rel .LBB1_4-.Ltmp4, $1  }
0x3b: {  	_ =	sdelay $0x3  }
.LBB1_6:
0x3c: {  	_ =	sfence.sel $0x180000  }
0x3d: {  	s2 =	simm.s32 $0x1;
	[bflag:$0x0] =	sbarrier.arrive $0xFFFF  }
0x3e: {  	s31 =	simm.s32 $0x2;
	[sflag:s2] =	ssyncpa.u1 $0x1  }
0x3f: {  	[sflag:s31] =	ssyncpa.u1 $0x1  }
0x40: {  	p0 =	sne.s32 s0, $0x0;
	_ =	strace $0x9000004A  }
0x41: {  	s0 =	sadd.s32 @!p0 $0x100000, s1;
	[bflag:$0x2] =	sbarrier.arrive $0xFFFF  }
0x42: {  	[sflag:s0] =	ssyncadd.tile.s32 @!p0 $0x1;
	_ =	shalt  }
.Lfunc_end1:
_tile_overlayer_lowered:
.L_overlay_start_2:
0x43: {  	(tag) =	ssettag $0x2  }
0x44: {  	s0 =	rddreg [dreg:$0x0];
	s2 =	stileid.u32  }
0x45: {  	s1 =	rddreg [dreg:$0x1];
	p0 =	sne.s32 s2, $0x0  }
0x46: {  	s3 =	rddreg [dreg:$0x2];
	[bflag:$0x3] =	sbarrier.arrive $0xFFFF;
	s2 =	simm.s32 @!p0 $0x1C01  }
0x47: {  	[timem:s3], [sflag:s2] =	dma.local @!p0 [hbm:s0], s1  }
0x48: {  	s0 =	simm.s32 @!p0 $0x1  }
0x49: {  	_ =	swait.ge @!p0 [sflag:s0], s1  }
0x4a: {  	s1 =	ssub.s32 @!p0 $0x0, s1;
	[sflag:s0] =	ssyncset.done @!p0 $0x0  }
0x4b: {  	[sflag:s0] =	ssyncadd.s32 @!p0 s1  }
0x4c: {  	[bflag:$0x3] =	sbarrier.arrive $0xFFFF  }
0x4d: {  	_ =	shalt  }

</sc_bundles>
